<compile_context>
chip_gen: v7x
topology: tpu7x:2x2x1
jax: 0.10.2.dev20260603
libtpu: 0.0.44.dev20260713+nightly
codegen_flags: <defaults>
</compile_context>

<pallas_src>
import jax
import jax.numpy as jnp
from jax import lax
from jax.experimental import pallas as pl
from jax.experimental.pallas import tpu as pltpu
from jax.experimental.pallas import tpu_sc as plsc

N_BATCH = 4
SEQ = 4096
EMB = 2048
NC, NS = 2, 16
NW = NC * NS

SC_SEQ = 512
S_PER_W = SC_SEQ // NW
C = 8
N_CHUNKS = S_PER_W // C
LANE_SL = EMB // 16

BLK_S = 512
SC_BLOCKS = SC_SEQ // BLK_S


def _sc_body(x_hbm, pos_hbm, out_hbm,
             bufp0, bufp1, bx0, bx1,
             psem0, psem1, lsem0, lsem1, ssem0, ssem1):
    wid = lax.axis_index("s") * NC + lax.axis_index("c")
    s_base = wid * S_PER_W

    bufp = (bufp0, bufp1)
    bx = (bx0, bx1)
    lsem = (lsem0, lsem1)
    ssem = (ssem0, ssem1)

    pltpu.async_copy(pos_hbm.at[pl.ds(s_base, C)], bufp0, psem0)
    pltpu.async_copy(x_hbm.at[0].at[pl.ds(s_base, C)], bx0, lsem0)

    def do_chunk(g, p):
        s0 = s_base + g * C

        pltpu.make_async_copy(
            pos_hbm.at[pl.ds(0, C)], bufp[p], (psem0, psem1)[p]
        ).wait()
        pltpu.make_async_copy(
            x_hbm.at[0].at[pl.ds(0, C)], bx[p], lsem[p]
        ).wait()

        @pl.when(g + 1 < N_CHUNKS)
        def _():
            pltpu.async_copy(
                pos_hbm.at[pl.ds(s0 + C, C)], bufp[1 - p], (psem0, psem1)[1 - p]
            )

            @pl.when(g > 0)
            def _():
                pltpu.make_async_copy(
                    bx[1 - p], out_hbm.at[0].at[pl.ds(0, C)], ssem[1 - p]
                ).wait()

            pltpu.async_copy(
                x_hbm.at[0].at[pl.ds(s0 + C, C)], bx[1 - p], lsem[1 - p]
            )

        for r in range(C):
            @plsc.parallel_loop(0, LANE_SL, unroll=8)
            def _(i, r=r):
                sl = pl.ds(i * 16, 16)
                bx[p][r, sl] = bx[p][r, sl] + bufp[p][r, sl]

        pltpu.async_copy(bx[p], out_hbm.at[0].at[pl.ds(s0, C)], ssem[p])

    def chunk_pair(g2, _):
        do_chunk(g2 * 2, 0)
        do_chunk(g2 * 2 + 1, 1)
        return 0

    lax.fori_loop(0, N_CHUNKS // 2, chunk_pair, 0)

    for b in range(2):
        pltpu.make_async_copy(
            bx[b], out_hbm.at[0].at[pl.ds(0, C)], ssem[b]
        ).wait()


def _tc_body(x_ref, pos_ref, o_ref):
    o_ref[...] = x_ref[...] + pos_ref[...]


def _merge_body(sc_ref, tc_ref, o_ref):
    del tc_ref
    o_ref[...] = sc_ref[...]


def kernel(x, pos_embedding):
    sc = pl.kernel(
        _sc_body,
        mesh=plsc.VectorSubcoreMesh(core_axis_name="c", subcore_axis_name="s"),
        out_type=jax.ShapeDtypeStruct((1, SC_SEQ, EMB), jnp.float32),
        scratch_types=(
            [pltpu.VMEM((C, EMB), jnp.float32) for _ in range(4)]
            + [pltpu.SemaphoreType.DMA for _ in range(6)]
        ),
    )
    sc_out = sc(x, pos_embedding)

    def _tc_batch(s, b):
        return jnp.where((b == 0) & (s < SC_BLOCKS), 1, b)

    tc_out = pl.pallas_call(
        _tc_body,
        grid=(SEQ // BLK_S, N_BATCH),
        in_specs=[
            pl.BlockSpec((1, BLK_S, EMB), lambda s, b: (_tc_batch(s, b), s, 0)),
            pl.BlockSpec((BLK_S, EMB), lambda s, b: (s, 0)),
        ],
        out_specs=pl.BlockSpec((1, BLK_S, EMB), lambda s, b: (_tc_batch(s, b), s, 0)),
        out_shape=jax.ShapeDtypeStruct((N_BATCH, SEQ, EMB), x.dtype),
    )(x, pos_embedding)

    out = pl.pallas_call(
        _merge_body,
        grid=(SC_BLOCKS,),
        in_specs=[
            pl.BlockSpec((1, BLK_S, EMB), lambda i: (0, i, 0)),
            pl.BlockSpec(memory_space=pl.ANY),
        ],
        out_specs=pl.BlockSpec((1, BLK_S, EMB), lambda i: (0, i, 0)),
        out_shape=jax.ShapeDtypeStruct((N_BATCH, SEQ, EMB), x.dtype),
        input_output_aliases={1: 0},
    )(sc_out, tc_out)
    return out

# --- scband reference (transcript-rebuilt; emitter-appended) ---
"""Pipeline reference for scband-learned-positional-encoding-78331613544757 (READ-ONLY COPY).

The authoritative reference and input builder live on the scoring server;
editing this copy changes nothing except your own understanding.
"""

import jax, jax.numpy as jnp
import numpy as np

SEQ_LENGTH = 4096
EMBED_SIZE = 2048

def setup_inputs(seed: int = 0) -> dict:
    key = jax.random.key(seed)
    k1, k2 = jax.random.split(key)
    x = jax.random.normal(k1, (4, 4096, 2048), dtype=jnp.float32)
    # nn.Embedding default init: N(0, 1)
    pos_embedding = jax.random.normal(k2, (SEQ_LENGTH, EMBED_SIZE), dtype=jnp.float32)
    return {"x": x, "pos_embedding": pos_embedding}

def reference(x, pos_embedding):
    N, seq_len, _ = x.shape
    positions = jnp.arange(0, seq_len)
    # gather rows of the positional table (embedding lookup)
    pos = jnp.take(pos_embedding, positions, axis=0)  # [seq_len, embed_size]
    # broadcast over batch, matching positions.unsqueeze(0).expand(N, seq_len)
    return x + pos[None, :, :]

if __name__ == "__main__":
    import jax
    _d = setup_inputs()
    print(jax.jit(kernel)(*tuple(_d.values())))

</pallas_src>

<mosaic_0001>
#map = affine_map<(d0, d1) -> (0, 0, 0)>
#map1 = affine_map<(d0, d1) -> (0, 0)>
module attributes {stable_mosaic.version = 14 : i64} {
  func.func @_sc_body(%arg0: i32, %arg1: i32, %arg2: memref<4x4096x2048xf32, #tpu.memory_space<hbm>>, %arg3: memref<4096x2048xf32, #tpu.memory_space<hbm>>, %arg4: memref<1x512x2048xf32, #tpu.memory_space<hbm>>, %arg5: memref<8x2048xf32, #tpu.memory_space<vmem>>, %arg6: memref<8x2048xf32, #tpu.memory_space<vmem>>, %arg7: memref<8x2048xf32, #tpu.memory_space<vmem>>, %arg8: memref<8x2048xf32, #tpu.memory_space<vmem>>, %arg9: memref<!tpu.dma_semaphore, #tpu.memory_space<semaphore_mem>>, %arg10: memref<!tpu.dma_semaphore, #tpu.memory_space<semaphore_mem>>, %arg11: memref<!tpu.dma_semaphore, #tpu.memory_space<semaphore_mem>>, %arg12: memref<!tpu.dma_semaphore, #tpu.memory_space<semaphore_mem>>, %arg13: memref<!tpu.dma_semaphore, #tpu.memory_space<semaphore_mem>>, %arg14: memref<!tpu.dma_semaphore, #tpu.memory_space<semaphore_mem>>) attributes {dimension_semantics = [#tpu.dimension_semantics<core_parallel>, #tpu.dimension_semantics<subcore_parallel>], iteration_bounds = array<i64: 2, 16>, scalar_prefetch = 0 : i64, scratch_operands = 10 : i64, tpu.core_type = #tpu.core_type<sc_vector_subcore>, window_params = [{transform_indices = #map}, {transform_indices = #map1}, {transform_indices = #map}]} {
    %mul3A = arith.constant 2 : i32
    %mul3A_0 = arith.muli %arg1, %mul3A : i32
    %add3A = arith.addi %mul3A_0, %arg0 : i32
    %mul3A_1 = arith.constant 16 : i32
    %mul3A_2 = arith.muli %add3A, %mul3A_1 : i32
    %dma_start3A = arith.constant 0 : i32
    %dma_start3A_3 = tpu.memref_slice %arg3[%mul3A_2, %dma_start3A] : memref<4096x2048xf32, #tpu.memory_space<hbm>> -> memref<8x2048xf32, #tpu.memory_space<hbm>>
    %dma_start3A_4 = arith.constant 0 : i32
    %dma_start3A_5 = tpu.memref_slice %arg3[%mul3A_2, %dma_start3A_4] : memref<4096x2048xf32, #tpu.memory_space<hbm>> -> memref<8x2048xf32, #tpu.memory_space<hbm>>
    tpu.enqueue_dma source(%dma_start3A_5 : memref<8x2048xf32, #tpu.memory_space<hbm>>) target(%arg5 : memref<8x2048xf32, #tpu.memory_space<vmem>>) target_semaphore(%arg9 : memref<!tpu.dma_semaphore, #tpu.memory_space<semaphore_mem>>)
    %dma_start3A_6 = arith.constant 0 : i32
    %dma_start3A_7 = arith.constant 0 : i32
    %dma_start3A_8 = arith.constant 0 : i32
    %dma_start3A_9 = tpu.memref_slice %arg2[%dma_start3A_6, %dma_start3A_7, %dma_start3A_8] : memref<4x4096x2048xf32, #tpu.memory_space<hbm>> -> memref<1x4096x2048xf32, #tpu.memory_space<hbm>>
    %dma_start3A_10 = tpu.memref_squeeze %dma_start3A_9 : memref<1x4096x2048xf32, #tpu.memory_space<hbm>> -> memref<4096x2048xf32, #tpu.memory_space<hbm>>
    %dma_start3A_11 = arith.constant 0 : i32
    %dma_start3A_12 = tpu.memref_slice %dma_start3A_10[%mul3A_2, %dma_start3A_11] : memref<4096x2048xf32, #tpu.memory_space<hbm>> -> memref<8x2048xf32, #tpu.memory_space<hbm>>
    %dma_start3A_13 = arith.constant 0 : i32
    %dma_start3A_14 = arith.constant 0 : i32
    %dma_start3A_15 = tpu.memref_slice %arg2[%dma_start3A_6, %dma_start3A_13, %dma_start3A_14] : memref<4x4096x2048xf32, #tpu.memory_space<hbm>> -> memref<1x4096x2048xf32, #tpu.memory_space<hbm>>
    %dma_start3A_16 = tpu.memref_squeeze %dma_start3A_15 : memref<1x4096x2048xf32, #tpu.memory_space<hbm>> -> memref<4096x2048xf32, #tpu.memory_space<hbm>>
    %dma_start3A_17 = arith.constant 0 : i32
    %dma_start3A_18 = tpu.memref_slice %dma_start3A_16[%mul3A_2, %dma_start3A_17] : memref<4096x2048xf32, #tpu.memory_space<hbm>> -> memref<8x2048xf32, #tpu.memory_space<hbm>>
    tpu.enqueue_dma source(%dma_start3A_18 : memref<8x2048xf32, #tpu.memory_space<hbm>>) target(%arg7 : memref<8x2048xf32, #tpu.memory_space<vmem>>) target_semaphore(%arg11 : memref<!tpu.dma_semaphore, #tpu.memory_space<semaphore_mem>>)
    %scan3A = arith.constant 0 : i32
    %scan3A_19 = arith.constant 0 : i32
    %mul3A_20 = arith.constant 2 : i32
    %mul3A_21 = arith.muli %scan3A_19, %mul3A_20 : i32
    %mul3A_22 = arith.constant 8 : i32
    %mul3A_23 = arith.muli %mul3A_21, %mul3A_22 : i32
    %add3A_24 = arith.addi %mul3A_2, %mul3A_23 : i32
    %dma_wait3A = arith.constant 0 : i32
    %dma_wait3A_25 = arith.constant 0 : i32
    %dma_wait3A_26 = tpu.memref_slice %arg3[%dma_wait3A, %dma_wait3A_25] : memref<4096x2048xf32, #tpu.memory_space<hbm>> -> memref<8x2048xf32, #tpu.memory_space<hbm>>
    %dma_wait3A_27 = arith.constant 0 : i32
    %dma_wait3A_28 = arith.constant 0 : i32
    %dma_wait3A_29 = tpu.memref_slice %arg3[%dma_wait3A_27, %dma_wait3A_28] : memref<4096x2048xf32, #tpu.memory_space<hbm>> -> memref<8x2048xf32, #tpu.memory_space<hbm>>
    tpu.wait_dma2 semaphore(%arg9 : memref<!tpu.dma_semaphore, #tpu.memory_space<semaphore_mem>>) src(%dma_wait3A_29 : memref<8x2048xf32, #tpu.memory_space<hbm>>) dst(%arg5 : memref<8x2048xf32, #tpu.memory_space<vmem>>)
    %dma_wait3A_30 = arith.constant 0 : i32
    %dma_wait3A_31 = arith.constant 0 : i32
    %dma_wait3A_32 = arith.constant 0 : i32
    %dma_wait3A_33 = tpu.memref_slice %arg2[%dma_wait3A_30, %dma_wait3A_31, %dma_wait3A_32] : memref<4x4096x2048xf32, #tpu.memory_space<hbm>> -> memref<1x4096x2048xf32, #tpu.memory_space<hbm>>
    %dma_wait3A_34 = tpu.memref_squeeze %dma_wait3A_33 : memref<1x4096x2048xf32, #tpu.memory_space<hbm>> -> memref<4096x2048xf32, #tpu.memory_space<hbm>>
    %dma_wait3A_35 = arith.constant 0 : i32
    %dma_wait3A_36 = arith.constant 0 : i32
    %dma_wait3A_37 = tpu.memref_slice %dma_wait3A_34[%dma_wait3A_35, %dma_wait3A_36] : memref<4096x2048xf32, #tpu.memory_space<hbm>> -> memref<8x2048xf32, #tpu.memory_space<hbm>>
    %dma_wait3A_38 = arith.constant 0 : i32
    %dma_wait3A_39 = arith.constant 0 : i32
    %dma_wait3A_40 = tpu.memref_slice %arg2[%dma_wait3A_30, %dma_wait3A_38, %dma_wait3A_39] : memref<4x4096x2048xf32, #tpu.memory_space<hbm>> -> memref<1x4096x2048xf32, #tpu.memory_space<hbm>>
    %dma_wait3A_41 = tpu.memref_squeeze %dma_wait3A_40 : memref<1x4096x2048xf32, #tpu.memory_space<hbm>> -> memref<4096x2048xf32, #tpu.memory_space<hbm>>
    %dma_wait3A_42 = arith.constant 0 : i32
    %dma_wait3A_43 = arith.constant 0 : i32
    %dma_wait3A_44 = tpu.memref_slice %dma_wait3A_41[%dma_wait3A_42, %dma_wait3A_43] : memref<4096x2048xf32, #tpu.memory_space<hbm>> -> memref<8x2048xf32, #tpu.memory_space<hbm>>
    tpu.wait_dma2 semaphore(%arg11 : memref<!tpu.dma_semaphore, #tpu.memory_space<semaphore_mem>>) src(%dma_wait3A_44 : memref<8x2048xf32, #tpu.memory_space<hbm>>) dst(%arg7 : memref<8x2048xf32, #tpu.memory_space<vmem>>)
    %add3A_45 = arith.constant 1 : i32
    %add3A_46 = arith.addi %mul3A_21, %add3A_45 : i32
    %lt3A = arith.constant 2 : i32
    %lt3A_47 = arith.cmpi slt, %add3A_46, %lt3A : i32
    %convert_element_type3A = arith.extui %lt3A_47 : i1 to i32
    %cond3A = arith.constant 0 : i32
    %cond3A_48 = arith.cmpi ne, %convert_element_type3A, %cond3A : i32
    scf.if %cond3A_48 {
      %add3A_189 = arith.constant 8 : i32
      %add3A_190 = arith.addi %add3A_24, %add3A_189 : i32
      %dma_start3A_191 = arith.constant 0 : i32
      %dma_start3A_192 = tpu.memref_slice %arg3[%add3A_190, %dma_start3A_191] : memref<4096x2048xf32, #tpu.memory_space<hbm>> -> memref<8x2048xf32, #tpu.memory_space<hbm>>
      %dma_start3A_193 = arith.constant 0 : i32
      %dma_start3A_194 = tpu.memref_slice %arg3[%add3A_190, %dma_start3A_193] : memref<4096x2048xf32, #tpu.memory_space<hbm>> -> memref<8x2048xf32, #tpu.memory_space<hbm>>
      tpu.enqueue_dma source(%dma_start3A_194 : memref<8x2048xf32, #tpu.memory_space<hbm>>) target(%arg6 : memref<8x2048xf32, #tpu.memory_space<vmem>>) target_semaphore(%arg10 : memref<!tpu.dma_semaphore, #tpu.memory_space<semaphore_mem>>)
      %gt3A = arith.constant 0 : i32
      %gt3A_195 = arith.cmpi sgt, %mul3A_21, %gt3A : i32
      %convert_element_type3A_196 = arith.extui %gt3A_195 : i1 to i32
      %cond3A_197 = arith.constant 0 : i32
      %cond3A_198 = arith.cmpi ne, %convert_element_type3A_196, %cond3A_197 : i32
      scf.if %cond3A_198 {
        %dma_wait3A_214 = arith.constant 0 : i32
        %dma_wait3A_215 = arith.constant 0 : i32
        %dma_wait3A_216 = arith.constant 0 : i32
        %dma_wait3A_217 = tpu.memref_slice %arg4[%dma_wait3A_214, %dma_wait3A_215, %dma_wait3A_216] : memref<1x512x2048xf32, #tpu.memory_space<hbm>> -> memref<1x512x2048xf32, #tpu.memory_space<hbm>>
        %dma_wait3A_218 = tpu.memref_squeeze %dma_wait3A_217 : memref<1x512x2048xf32, #tpu.memory_space<hbm>> -> memref<512x2048xf32, #tpu.memory_space<hbm>>
        %dma_wait3A_219 = arith.constant 0 : i32
        %dma_wait3A_220 = arith.constant 0 : i32
        %dma_wait3A_221 = tpu.memref_slice %dma_wait3A_218[%dma_wait3A_219, %dma_wait3A_220] : memref<512x2048xf32, #tpu.memory_space<hbm>> -> memref<8x2048xf32, #tpu.memory_space<hbm>>
        %dma_wait3A_222 = arith.constant 0 : i32
        %dma_wait3A_223 = arith.constant 0 : i32
        %dma_wait3A_224 = tpu.memref_slice %arg4[%dma_wait3A_214, %dma_wait3A_222, %dma_wait3A_223] : memref<1x512x2048xf32, #tpu.memory_space<hbm>> -> memref<1x512x2048xf32, #tpu.memory_space<hbm>>
        %dma_wait3A_225 = tpu.memref_squeeze %dma_wait3A_224 : memref<1x512x2048xf32, #tpu.memory_space<hbm>> -> memref<512x2048xf32, #tpu.memory_space<hbm>>
        %dma_wait3A_226 = arith.constant 0 : i32
        %dma_wait3A_227 = arith.constant 0 : i32
        %dma_wait3A_228 = tpu.memref_slice %dma_wait3A_225[%dma_wait3A_226, %dma_wait3A_227] : memref<512x2048xf32, #tpu.memory_space<hbm>> -> memref<8x2048xf32, #tpu.memory_space<hbm>>
        tpu.wait_dma2 semaphore(%arg14 : memref<!tpu.dma_semaphore, #tpu.memory_space<semaphore_mem>>) src(%arg8 : memref<8x2048xf32, #tpu.memory_space<vmem>>) dst(%dma_wait3A_228 : memref<8x2048xf32, #tpu.memory_space<hbm>>)
      } else {
      }
      %add3A_199 = arith.constant 8 : i32
      %add3A_200 = arith.addi %add3A_24, %add3A_199 : i32
      %dma_start3A_201 = arith.constant 0 : i32
      %dma_start3A_202 = arith.constant 0 : i32
      %dma_start3A_203 = arith.constant 0 : i32
      %dma_start3A_204 = tpu.memref_slice %arg2[%dma_start3A_201, %dma_start3A_202, %dma_start3A_203] : memref<4x4096x2048xf32, #tpu.memory_space<hbm>> -> memref<1x4096x2048xf32, #tpu.memory_space<hbm>>
      %dma_start3A_205 = tpu.memref_squeeze %dma_start3A_204 : memref<1x4096x2048xf32, #tpu.memory_space<hbm>> -> memref<4096x2048xf32, #tpu.memory_space<hbm>>
      %dma_start3A_206 = arith.constant 0 : i32
      %dma_start3A_207 = tpu.memref_slice %dma_start3A_205[%add3A_200, %dma_start3A_206] : memref<4096x2048xf32, #tpu.memory_space<hbm>> -> memref<8x2048xf32, #tpu.memory_space<hbm>>
      %dma_start3A_208 = arith.constant 0 : i32
      %dma_start3A_209 = arith.constant 0 : i32
      %dma_start3A_210 = tpu.memref_slice %arg2[%dma_start3A_201, %dma_start3A_208, %dma_start3A_209] : memref<4x4096x2048xf32, #tpu.memory_space<hbm>> -> memref<1x4096x2048xf32, #tpu.memory_space<hbm>>
      %dma_start3A_211 = tpu.memref_squeeze %dma_start3A_210 : memref<1x4096x2048xf32, #tpu.memory_space<hbm>> -> memref<4096x2048xf32, #tpu.memory_space<hbm>>
      %dma_start3A_212 = arith.constant 0 : i32
      %dma_start3A_213 = tpu.memref_slice %dma_start3A_211[%add3A_200, %dma_start3A_212] : memref<4096x2048xf32, #tpu.memory_space<hbm>> -> memref<8x2048xf32, #tpu.memory_space<hbm>>
      tpu.enqueue_dma source(%dma_start3A_213 : memref<8x2048xf32, #tpu.memory_space<hbm>>) target(%arg8 : memref<8x2048xf32, #tpu.memory_space<vmem>>) target_semaphore(%arg12 : memref<!tpu.dma_semaphore, #tpu.memory_space<semaphore_mem>>)
    } else {
    }
    %parallel_loop3A = arith.constant 0 : i32
    %parallel_loop3A_49 = arith.constant 128 : i32
    %parallel_loop3A_50 = arith.constant 1 : i32
    scf.for %parallel_loop3A_189 = %parallel_loop3A to %parallel_loop3A_49 step %parallel_loop3A_50  : i32 {
      %parallel_loop3A_190 = arith.constant 16 : i32
      %parallel_loop3A_191 = arith.muli %parallel_loop3A_189, %parallel_loop3A_190 : i32
      %parallel_loop3A_192 = arith.constant 0 : i32
      %parallel_loop3A_193 = arith.index_cast %parallel_loop3A_192 : i32 to index
      %parallel_loop3A_194 = arith.index_cast %parallel_loop3A_191 : i32 to index
      %parallel_loop3A_195 = tpu.vector_load %arg7[%parallel_loop3A_193, %parallel_loop3A_194] {strides = array<i32>} : memref<8x2048xf32, #tpu.memory_space<vmem>>, vector<1x16xf32>,
      %parallel_loop3A_196 = vector.shape_cast %parallel_loop3A_195 : vector<1x16xf32> to vector<16xf32>
      %parallel_loop3A_197 = arith.constant 0 : i32
      %parallel_loop3A_198 = arith.index_cast %parallel_loop3A_197 : i32 to index
      %parallel_loop3A_199 = arith.index_cast %parallel_loop3A_191 : i32 to index
      %parallel_loop3A_200 = tpu.vector_load %arg5[%parallel_loop3A_198, %parallel_loop3A_199] {strides = array<i32>} : memref<8x2048xf32, #tpu.memory_space<vmem>>, vector<1x16xf32>,
      %parallel_loop3A_201 = vector.shape_cast %parallel_loop3A_200 : vector<1x16xf32> to vector<16xf32>
      %parallel_loop3A_202 = arith.addf %parallel_loop3A_196, %parallel_loop3A_201 : vector<16xf32>
      %parallel_loop3A_203 = arith.constant 0 : i32
      %parallel_loop3A_204 = arith.index_cast %parallel_loop3A_203 : i32 to index
      %parallel_loop3A_205 = arith.index_cast %parallel_loop3A_191 : i32 to index
      %parallel_loop3A_206 = tpu.vector_load %arg7[%parallel_loop3A_204, %parallel_loop3A_205] {strides = array<i32>} : memref<8x2048xf32, #tpu.memory_space<vmem>>, vector<1x16xf32>,
      %parallel_loop3A_207 = vector.shape_cast %parallel_loop3A_206 : vector<1x16xf32> to vector<16xf32>
      %parallel_loop3A_208 = vector.shape_cast %parallel_loop3A_202 : vector<16xf32> to vector<1x16xf32>
      tpu.vector_store %arg7[%parallel_loop3A_204, %parallel_loop3A_205], %parallel_loop3A_208 {strides = array<i32>} : memref<8x2048xf32, #tpu.memory_space<vmem>>, vector<1x16xf32>,
    } {sc.loop_unroll_factor = 8 : i64, sc.parallel_access}
    %parallel_loop3A_51 = arith.constant 0 : i32
    %parallel_loop3A_52 = arith.constant 128 : i32
    %parallel_loop3A_53 = arith.constant 1 : i32
    scf.for %parallel_loop3A_189 = %parallel_loop3A_51 to %parallel_loop3A_52 step %parallel_loop3A_53  : i32 {
      %parallel_loop3A_190 = arith.constant 16 : i32
      %parallel_loop3A_191 = arith.muli %parallel_loop3A_189, %parallel_loop3A_190 : i32
      %parallel_loop3A_192 = arith.constant 1 : i32
      %parallel_loop3A_193 = arith.index_cast %parallel_loop3A_192 : i32 to index
      %parallel_loop3A_194 = arith.index_cast %parallel_loop3A_191 : i32 to index
      %parallel_loop3A_195 = tpu.vector_load %arg7[%parallel_loop3A_193, %parallel_loop3A_194] {strides = array<i32>} : memref<8x2048xf32, #tpu.memory_space<vmem>>, vector<1x16xf32>,
      %parallel_loop3A_196 = vector.shape_cast %parallel_loop3A_195 : vector<1x16xf32> to vector<16xf32>
      %parallel_loop3A_197 = arith.constant 1 : i32
      %parallel_loop3A_198 = arith.index_cast %parallel_loop3A_197 : i32 to index
      %parallel_loop3A_199 = arith.index_cast %parallel_loop3A_191 : i32 to index
      %parallel_loop3A_200 = tpu.vector_load %arg5[%parallel_loop3A_198, %parallel_loop3A_199] {strides = array<i32>} : memref<8x2048xf32, #tpu.memory_space<vmem>>, vector<1x16xf32>,
      %parallel_loop3A_201 = vector.shape_cast %parallel_loop3A_200 : vector<1x16xf32> to vector<16xf32>
      %parallel_loop3A_202 = arith.addf %parallel_loop3A_196, %parallel_loop3A_201 : vector<16xf32>
      %parallel_loop3A_203 = arith.constant 1 : i32
      %parallel_loop3A_204 = arith.index_cast %parallel_loop3A_203 : i32 to index
      %parallel_loop3A_205 = arith.index_cast %parallel_loop3A_191 : i32 to index
      %parallel_loop3A_206 = tpu.vector_load %arg7[%parallel_loop3A_204, %parallel_loop3A_205] {strides = array<i32>} : memref<8x2048xf32, #tpu.memory_space<vmem>>, vector<1x16xf32>,
      %parallel_loop3A_207 = vector.shape_cast %parallel_loop3A_206 : vector<1x16xf32> to vector<16xf32>
      %parallel_loop3A_208 = vector.shape_cast %parallel_loop3A_202 : vector<16xf32> to vector<1x16xf32>
      tpu.vector_store %arg7[%parallel_loop3A_204, %parallel_loop3A_205], %parallel_loop3A_208 {strides = array<i32>} : memref<8x2048xf32, #tpu.memory_space<vmem>>, vector<1x16xf32>,
    } {sc.loop_unroll_factor = 8 : i64, sc.parallel_access}
    %parallel_loop3A_54 = arith.constant 0 : i32
    %parallel_loop3A_55 = arith.constant 128 : i32
    %parallel_loop3A_56 = arith.constant 1 : i32
    scf.for %parallel_loop3A_189 = %parallel_loop3A_54 to %parallel_loop3A_55 step %parallel_loop3A_56  : i32 {
      %parallel_loop3A_190 = arith.constant 16 : i32
      %parallel_loop3A_191 = arith.muli %parallel_loop3A_189, %parallel_loop3A_190 : i32
      %parallel_loop3A_192 = arith.constant 2 : i32
      %parallel_loop3A_193 = arith.index_cast %parallel_loop3A_192 : i32 to index
      %parallel_loop3A_194 = arith.index_cast %parallel_loop3A_191 : i32 to index
      %parallel_loop3A_195 = tpu.vector_load %arg7[%parallel_loop3A_193, %parallel_loop3A_194] {strides = array<i32>} : memref<8x2048xf32, #tpu.memory_space<vmem>>, vector<1x16xf32>,
      %parallel_loop3A_196 = vector.shape_cast %parallel_loop3A_195 : vector<1x16xf32> to vector<16xf32>
      %parallel_loop3A_197 = arith.constant 2 : i32
      %parallel_loop3A_198 = arith.index_cast %parallel_loop3A_197 : i32 to index
      %parallel_loop3A_199 = arith.index_cast %parallel_loop3A_191 : i32 to index
      %parallel_loop3A_200 = tpu.vector_load %arg5[%parallel_loop3A_198, %parallel_loop3A_199] {strides = array<i32>} : memref<8x2048xf32, #tpu.memory_space<vmem>>, vector<1x16xf32>,
      %parallel_loop3A_201 = vector.shape_cast %parallel_loop3A_200 : vector<1x16xf32> to vector<16xf32>
      %parallel_loop3A_202 = arith.addf %parallel_loop3A_196, %parallel_loop3A_201 : vector<16xf32>
      %parallel_loop3A_203 = arith.constant 2 : i32
      %parallel_loop3A_204 = arith.index_cast %parallel_loop3A_203 : i32 to index
      %parallel_loop3A_205 = arith.index_cast %parallel_loop3A_191 : i32 to index
      %parallel_loop3A_206 = tpu.vector_load %arg7[%parallel_loop3A_204, %parallel_loop3A_205] {strides = array<i32>} : memref<8x2048xf32, #tpu.memory_space<vmem>>, vector<1x16xf32>,
      %parallel_loop3A_207 = vector.shape_cast %parallel_loop3A_206 : vector<1x16xf32> to vector<16xf32>
      %parallel_loop3A_208 = vector.shape_cast %parallel_loop3A_202 : vector<16xf32> to vector<1x16xf32>
      tpu.vector_store %arg7[%parallel_loop3A_204, %parallel_loop3A_205], %parallel_loop3A_208 {strides = array<i32>} : memref<8x2048xf32, #tpu.memory_space<vmem>>, vector<1x16xf32>,
    } {sc.loop_unroll_factor = 8 : i64, sc.parallel_access}
    %parallel_loop3A_57 = arith.constant 0 : i32
    %parallel_loop3A_58 = arith.constant 128 : i32
    %parallel_loop3A_59 = arith.constant 1 : i32
    scf.for %parallel_loop3A_189 = %parallel_loop3A_57 to %parallel_loop3A_58 step %parallel_loop3A_59  : i32 {
      %parallel_loop3A_190 = arith.constant 16 : i32
      %parallel_loop3A_191 = arith.muli %parallel_loop3A_189, %parallel_loop3A_190 : i32
      %parallel_loop3A_192 = arith.constant 3 : i32
      %parallel_loop3A_193 = arith.index_cast %parallel_loop3A_192 : i32 to index
      %parallel_loop3A_194 = arith.index_cast %parallel_loop3A_191 : i32 to index
      %parallel_loop3A_195 = tpu.vector_load %arg7[%parallel_loop3A_193, %parallel_loop3A_194] {strides = array<i32>} : memref<8x2048xf32, #tpu.memory_space<vmem>>, vector<1x16xf32>,
      %parallel_loop3A_196 = vector.shape_cast %parallel_loop3A_195 : vector<1x16xf32> to vector<16xf32>
      %parallel_loop3A_197 = arith.constant 3 : i32
      %parallel_loop3A_198 = arith.index_cast %parallel_loop3A_197 : i32 to index
      %parallel_loop3A_199 = arith.index_cast %parallel_loop3A_191 : i32 to index
      %parallel_loop3A_200 = tpu.vector_load %arg5[%parallel_loop3A_198, %parallel_loop3A_199] {strides = array<i32>} : memref<8x2048xf32, #tpu.memory_space<vmem>>, vector<1x16xf32>,
      %parallel_loop3A_201 = vector.shape_cast %parallel_loop3A_200 : vector<1x16xf32> to vector<16xf32>
      %parallel_loop3A_202 = arith.addf %parallel_loop3A_196, %parallel_loop3A_201 : vector<16xf32>
      %parallel_loop3A_203 = arith.constant 3 : i32
      %parallel_loop3A_204 = arith.index_cast %parallel_loop3A_203 : i32 to index
      %parallel_loop3A_205 = arith.index_cast %parallel_loop3A_191 : i32 to index
      %parallel_loop3A_206 = tpu.vector_load %arg7[%parallel_loop3A_204, %parallel_loop3A_205] {strides = array<i32>} : memref<8x2048xf32, #tpu.memory_space<vmem>>, vector<1x16xf32>,
      %parallel_loop3A_207 = vector.shape_cast %parallel_loop3A_206 : vector<1x16xf32> to vector<16xf32>
      %parallel_loop3A_208 = vector.shape_cast %parallel_loop3A_202 : vector<16xf32> to vector<1x16xf32>
      tpu.vector_store %arg7[%parallel_loop3A_204, %parallel_loop3A_205], %parallel_loop3A_208 {strides = array<i32>} : memref<8x2048xf32, #tpu.memory_space<vmem>>, vector<1x16xf32>,
    } {sc.loop_unroll_factor = 8 : i64, sc.parallel_access}
    %parallel_loop3A_60 = arith.constant 0 : i32
    %parallel_loop3A_61 = arith.constant 128 : i32
    %parallel_loop3A_62 = arith.constant 1 : i32
    scf.for %parallel_loop3A_189 = %parallel_loop3A_60 to %parallel_loop3A_61 step %parallel_loop3A_62  : i32 {
      %parallel_loop3A_190 = arith.constant 16 : i32
      %parallel_loop3A_191 = arith.muli %parallel_loop3A_189, %parallel_loop3A_190 : i32
      %parallel_loop3A_192 = arith.constant 4 : i32
      %parallel_loop3A_193 = arith.index_cast %parallel_loop3A_192 : i32 to index
      %parallel_loop3A_194 = arith.index_cast %parallel_loop3A_191 : i32 to index
      %parallel_loop3A_195 = tpu.vector_load %arg7[%parallel_loop3A_193, %parallel_loop3A_194] {strides = array<i32>} : memref<8x2048xf32, #tpu.memory_space<vmem>>, vector<1x16xf32>,
      %parallel_loop3A_196 = vector.shape_cast %parallel_loop3A_195 : vector<1x16xf32> to vector<16xf32>
      %parallel_loop3A_197 = arith.constant 4 : i32
      %parallel_loop3A_198 = arith.index_cast %parallel_loop3A_197 : i32 to index
      %parallel_loop3A_199 = arith.index_cast %parallel_loop3A_191 : i32 to index
      %parallel_loop3A_200 = tpu.vector_load %arg5[%parallel_loop3A_198, %parallel_loop3A_199] {strides = array<i32>} : memref<8x2048xf32, #tpu.memory_space<vmem>>, vector<1x16xf32>,
      %parallel_loop3A_201 = vector.shape_cast %parallel_loop3A_200 : vector<1x16xf32> to vector<16xf32>
      %parallel_loop3A_202 = arith.addf %parallel_loop3A_196, %parallel_loop3A_201 : vector<16xf32>
      %parallel_loop3A_203 = arith.constant 4 : i32
      %parallel_loop3A_204 = arith.index_cast %parallel_loop3A_203 : i32 to index
      %parallel_loop3A_205 = arith.index_cast %parallel_loop3A_191 : i32 to index
      %parallel_loop3A_206 = tpu.vector_load %arg7[%parallel_loop3A_204, %parallel_loop3A_205] {strides = array<i32>} : memref<8x2048xf32, #tpu.memory_space<vmem>>, vector<1x16xf32>,
      %parallel_loop3A_207 = vector.shape_cast %parallel_loop3A_206 : vector<1x16xf32> to vector<16xf32>
      %parallel_loop3A_208 = vector.shape_cast %parallel_loop3A_202 : vector<16xf32> to vector<1x16xf32>
      tpu.vector_store %arg7[%parallel_loop3A_204, %parallel_loop3A_205], %parallel_loop3A_208 {strides = array<i32>} : memref<8x2048xf32, #tpu.memory_space<vmem>>, vector<1x16xf32>,
    } {sc.loop_unroll_factor = 8 : i64, sc.parallel_access}
    %parallel_loop3A_63 = arith.constant 0 : i32
    %parallel_loop3A_64 = arith.constant 128 : i32
    %parallel_loop3A_65 = arith.constant 1 : i32
    scf.for %parallel_loop3A_189 = %parallel_loop3A_63 to %parallel_loop3A_64 step %parallel_loop3A_65  : i32 {
      %parallel_loop3A_190 = arith.constant 16 : i32
      %parallel_loop3A_191 = arith.muli %parallel_loop3A_189, %parallel_loop3A_190 : i32
      %parallel_loop3A_192 = arith.constant 5 : i32
      %parallel_loop3A_193 = arith.index_cast %parallel_loop3A_192 : i32 to index
      %parallel_loop3A_194 = arith.index_cast %parallel_loop3A_191 : i32 to index
      %parallel_loop3A_195 = tpu.vector_load %arg7[%parallel_loop3A_193, %parallel_loop3A_194] {strides = array<i32>} : memref<8x2048xf32, #tpu.memory_space<vmem>>, vector<1x16xf32>,
      %parallel_loop3A_196 = vector.shape_cast %parallel_loop3A_195 : vector<1x16xf32> to vector<16xf32>
      %parallel_loop3A_197 = arith.constant 5 : i32
      %parallel_loop3A_198 = arith.index_cast %parallel_loop3A_197 : i32 to index
      %parallel_loop3A_199 = arith.index_cast %parallel_loop3A_191 : i32 to index
      %parallel_loop3A_200 = tpu.vector_load %arg5[%parallel_loop3A_198, %parallel_loop3A_199] {strides = array<i32>} : memref<8x2048xf32, #tpu.memory_space<vmem>>, vector<1x16xf32>,
      %parallel_loop3A_201 = vector.shape_cast %parallel_loop3A_200 : vector<1x16xf32> to vector<16xf32>
      %parallel_loop3A_202 = arith.addf %parallel_loop3A_196, %parallel_loop3A_201 : vector<16xf32>
      %parallel_loop3A_203 = arith.constant 5 : i32
      %parallel_loop3A_204 = arith.index_cast %parallel_loop3A_203 : i32 to index
      %parallel_loop3A_205 = arith.index_cast %parallel_loop3A_191 : i32 to index
      %parallel_loop3A_206 = tpu.vector_load %arg7[%parallel_loop3A_204, %parallel_loop3A_205] {strides = array<i32>} : memref<8x2048xf32, #tpu.memory_space<vmem>>, vector<1x16xf32>,
      %parallel_loop3A_207 = vector.shape_cast %parallel_loop3A_206 : vector<1x16xf32> to vector<16xf32>
      %parallel_loop3A_208 = vector.shape_cast %parallel_loop3A_202 : vector<16xf32> to vector<1x16xf32>
      tpu.vector_store %arg7[%parallel_loop3A_204, %parallel_loop3A_205], %parallel_loop3A_208 {strides = array<i32>} : memref<8x2048xf32, #tpu.memory_space<vmem>>, vector<1x16xf32>,
    } {sc.loop_unroll_factor = 8 : i64, sc.parallel_access}
    %parallel_loop3A_66 = arith.constant 0 : i32
    %parallel_loop3A_67 = arith.constant 128 : i32
    %parallel_loop3A_68 = arith.constant 1 : i32
    scf.for %parallel_loop3A_189 = %parallel_loop3A_66 to %parallel_loop3A_67 step %parallel_loop3A_68  : i32 {
      %parallel_loop3A_190 = arith.constant 16 : i32
      %parallel_loop3A_191 = arith.muli %parallel_loop3A_189, %parallel_loop3A_190 : i32
      %parallel_loop3A_192 = arith.constant 6 : i32
      %parallel_loop3A_193 = arith.index_cast %parallel_loop3A_192 : i32 to index
      %parallel_loop3A_194 = arith.index_cast %parallel_loop3A_191 : i32 to index
      %parallel_loop3A_195 = tpu.vector_load %arg7[%parallel_loop3A_193, %parallel_loop3A_194] {strides = array<i32>} : memref<8x2048xf32, #tpu.memory_space<vmem>>, vector<1x16xf32>,
      %parallel_loop3A_196 = vector.shape_cast %parallel_loop3A_195 : vector<1x16xf32> to vector<16xf32>
      %parallel_loop3A_197 = arith.constant 6 : i32
      %parallel_loop3A_198 = arith.index_cast %parallel_loop3A_197 : i32 to index
      %parallel_loop3A_199 = arith.index_cast %parallel_loop3A_191 : i32 to index
      %parallel_loop3A_200 = tpu.vector_load %arg5[%parallel_loop3A_198, %parallel_loop3A_199] {strides = array<i32>} : memref<8x2048xf32, #tpu.memory_space<vmem>>, vector<1x16xf32>,
      %parallel_loop3A_201 = vector.shape_cast %parallel_loop3A_200 : vector<1x16xf32> to vector<16xf32>
      %parallel_loop3A_202 = arith.addf %parallel_loop3A_196, %parallel_loop3A_201 : vector<16xf32>
      %parallel_loop3A_203 = arith.constant 6 : i32
      %parallel_loop3A_204 = arith.index_cast %parallel_loop3A_203 : i32 to index
      %parallel_loop3A_205 = arith.index_cast %parallel_loop3A_191 : i32 to index
      %parallel_loop3A_206 = tpu.vector_load %arg7[%parallel_loop3A_204, %parallel_loop3A_205] {strides = array<i32>} : memref<8x2048xf32, #tpu.memory_space<vmem>>, vector<1x16xf32>,
      %parallel_loop3A_207 = vector.shape_cast %parallel_loop3A_206 : vector<1x16xf32> to vector<16xf32>
      %parallel_loop3A_208 = vector.shape_cast %parallel_loop3A_202 : vector<16xf32> to vector<1x16xf32>
      tpu.vector_store %arg7[%parallel_loop3A_204, %parallel_loop3A_205], %parallel_loop3A_208 {strides = array<i32>} : memref<8x2048xf32, #tpu.memory_space<vmem>>, vector<1x16xf32>,
    } {sc.loop_unroll_factor = 8 : i64, sc.parallel_access}
    %parallel_loop3A_69 = arith.constant 0 : i32
    %parallel_loop3A_70 = arith.constant 128 : i32
    %parallel_loop3A_71 = arith.constant 1 : i32
    scf.for %parallel_loop3A_189 = %parallel_loop3A_69 to %parallel_loop3A_70 step %parallel_loop3A_71  : i32 {
      %parallel_loop3A_190 = arith.constant 16 : i32
      %parallel_loop3A_191 = arith.muli %parallel_loop3A_189, %parallel_loop3A_190 : i32
      %parallel_loop3A_192 = arith.constant 7 : i32
      %parallel_loop3A_193 = arith.index_cast %parallel_loop3A_192 : i32 to index
      %parallel_loop3A_194 = arith.index_cast %parallel_loop3A_191 : i32 to index
      %parallel_loop3A_195 = tpu.vector_load %arg7[%parallel_loop3A_193, %parallel_loop3A_194] {strides = array<i32>} : memref<8x2048xf32, #tpu.memory_space<vmem>>, vector<1x16xf32>,
      %parallel_loop3A_196 = vector.shape_cast %parallel_loop3A_195 : vector<1x16xf32> to vector<16xf32>
      %parallel_loop3A_197 = arith.constant 7 : i32
      %parallel_loop3A_198 = arith.index_cast %parallel_loop3A_197 : i32 to index
      %parallel_loop3A_199 = arith.index_cast %parallel_loop3A_191 : i32 to index
      %parallel_loop3A_200 = tpu.vector_load %arg5[%parallel_loop3A_198, %parallel_loop3A_199] {strides = array<i32>} : memref<8x2048xf32, #tpu.memory_space<vmem>>, vector<1x16xf32>,
      %parallel_loop3A_201 = vector.shape_cast %parallel_loop3A_200 : vector<1x16xf32> to vector<16xf32>
      %parallel_loop3A_202 = arith.addf %parallel_loop3A_196, %parallel_loop3A_201 : vector<16xf32>
      %parallel_loop3A_203 = arith.constant 7 : i32
      %parallel_loop3A_204 = arith.index_cast %parallel_loop3A_203 : i32 to index
      %parallel_loop3A_205 = arith.index_cast %parallel_loop3A_191 : i32 to index
      %parallel_loop3A_206 = tpu.vector_load %arg7[%parallel_loop3A_204, %parallel_loop3A_205] {strides = array<i32>} : memref<8x2048xf32, #tpu.memory_space<vmem>>, vector<1x16xf32>,
      %parallel_loop3A_207 = vector.shape_cast %parallel_loop3A_206 : vector<1x16xf32> to vector<16xf32>
      %parallel_loop3A_208 = vector.shape_cast %parallel_loop3A_202 : vector<16xf32> to vector<1x16xf32>
      tpu.vector_store %arg7[%parallel_loop3A_204, %parallel_loop3A_205], %parallel_loop3A_208 {strides = array<i32>} : memref<8x2048xf32, #tpu.memory_space<vmem>>, vector<1x16xf32>,
    } {sc.loop_unroll_factor = 8 : i64, sc.parallel_access}
    %dma_start3A_72 = arith.constant 0 : i32
    %dma_start3A_73 = arith.constant 0 : i32
    %dma_start3A_74 = arith.constant 0 : i32
    %dma_start3A_75 = tpu.memref_slice %arg4[%dma_start3A_72, %dma_start3A_73, %dma_start3A_74] : memref<1x512x2048xf32, #tpu.memory_space<hbm>> -> memref<1x512x2048xf32, #tpu.memory_space<hbm>>
    %dma_start3A_76 = tpu.memref_squeeze %dma_start3A_75 : memref<1x512x2048xf32, #tpu.memory_space<hbm>> -> memref<512x2048xf32, #tpu.memory_space<hbm>>
    %dma_start3A_77 = arith.constant 0 : i32
    %dma_start3A_78 = tpu.memref_slice %dma_start3A_76[%add3A_24, %dma_start3A_77] : memref<512x2048xf32, #tpu.memory_space<hbm>> -> memref<8x2048xf32, #tpu.memory_space<hbm>>
    %dma_start3A_79 = arith.constant 0 : i32
    %dma_start3A_80 = arith.constant 0 : i32
    %dma_start3A_81 = tpu.memref_slice %arg4[%dma_start3A_72, %dma_start3A_79, %dma_start3A_80] : memref<1x512x2048xf32, #tpu.memory_space<hbm>> -> memref<1x512x2048xf32, #tpu.memory_space<hbm>>
    %dma_start3A_82 = tpu.memref_squeeze %dma_start3A_81 : memref<1x512x2048xf32, #tpu.memory_space<hbm>> -> memref<512x2048xf32, #tpu.memory_space<hbm>>
    %dma_start3A_83 = arith.constant 0 : i32
    %dma_start3A_84 = tpu.memref_slice %dma_start3A_82[%add3A_24, %dma_start3A_83] : memref<512x2048xf32, #tpu.memory_space<hbm>> -> memref<8x2048xf32, #tpu.memory_space<hbm>>
    tpu.enqueue_dma source(%arg7 : memref<8x2048xf32, #tpu.memory_space<vmem>>) target(%dma_start3A_84 : memref<8x2048xf32, #tpu.memory_space<hbm>>) target_semaphore(%arg13 : memref<!tpu.dma_semaphore, #tpu.memory_space<semaphore_mem>>)
    %mul3A_85 = arith.constant 2 : i32
    %mul3A_86 = arith.muli %scan3A_19, %mul3A_85 : i32
    %add3A_87 = arith.constant 1 : i32
    %add3A_88 = arith.addi %mul3A_86, %add3A_87 : i32
    %mul3A_89 = arith.constant 8 : i32
    %mul3A_90 = arith.muli %add3A_88, %mul3A_89 : i32
    %add3A_91 = arith.addi %mul3A_2, %mul3A_90 : i32
    %dma_wait3A_92 = arith.constant 0 : i32
    %dma_wait3A_93 = arith.constant 0 : i32
    %dma_wait3A_94 = tpu.memref_slice %arg3[%dma_wait3A_92, %dma_wait3A_93] : memref<4096x2048xf32, #tpu.memory_space<hbm>> -> memref<8x2048xf32, #tpu.memory_space<hbm>>
    %dma_wait3A_95 = arith.constant 0 : i32
    %dma_wait3A_96 = arith.constant 0 : i32
    %dma_wait3A_97 = tpu.memref_slice %arg3[%dma_wait3A_95, %dma_wait3A_96] : memref<4096x2048xf32, #tpu.memory_space<hbm>> -> memref<8x2048xf32, #tpu.memory_space<hbm>>
    tpu.wait_dma2 semaphore(%arg10 : memref<!tpu.dma_semaphore, #tpu.memory_space<semaphore_mem>>) src(%dma_wait3A_97 : memref<8x2048xf32, #tpu.memory_space<hbm>>) dst(%arg6 : memref<8x2048xf32, #tpu.memory_space<vmem>>)
    %dma_wait3A_98 = arith.constant 0 : i32
    %dma_wait3A_99 = arith.constant 0 : i32
    %dma_wait3A_100 = arith.constant 0 : i32
    %dma_wait3A_101 = tpu.memref_slice %arg2[%dma_wait3A_98, %dma_wait3A_99, %dma_wait3A_100] : memref<4x4096x2048xf32, #tpu.memory_space<hbm>> -> memref<1x4096x2048xf32, #tpu.memory_space<hbm>>
    %dma_wait3A_102 = tpu.memref_squeeze %dma_wait3A_101 : memref<1x4096x2048xf32, #tpu.memory_space<hbm>> -> memref<4096x2048xf32, #tpu.memory_space<hbm>>
    %dma_wait3A_103 = arith.constant 0 : i32
    %dma_wait3A_104 = arith.constant 0 : i32
    %dma_wait3A_105 = tpu.memref_slice %dma_wait3A_102[%dma_wait3A_103, %dma_wait3A_104] : memref<4096x2048xf32, #tpu.memory_space<hbm>> -> memref<8x2048xf32, #tpu.memory_space<hbm>>
    %dma_wait3A_106 = arith.constant 0 : i32
    %dma_wait3A_107 = arith.constant 0 : i32
    %dma_wait3A_108 = tpu.memref_slice %arg2[%dma_wait3A_98, %dma_wait3A_106, %dma_wait3A_107] : memref<4x4096x2048xf32, #tpu.memory_space<hbm>> -> memref<1x4096x2048xf32, #tpu.memory_space<hbm>>
    %dma_wait3A_109 = tpu.memref_squeeze %dma_wait3A_108 : memref<1x4096x2048xf32, #tpu.memory_space<hbm>> -> memref<4096x2048xf32, #tpu.memory_space<hbm>>
    %dma_wait3A_110 = arith.constant 0 : i32
    %dma_wait3A_111 = arith.constant 0 : i32
    %dma_wait3A_112 = tpu.memref_slice %dma_wait3A_109[%dma_wait3A_110, %dma_wait3A_111] : memref<4096x2048xf32, #tpu.memory_space<hbm>> -> memref<8x2048xf32, #tpu.memory_space<hbm>>
    tpu.wait_dma2 semaphore(%arg12 : memref<!tpu.dma_semaphore, #tpu.memory_space<semaphore_mem>>) src(%dma_wait3A_112 : memref<8x2048xf32, #tpu.memory_space<hbm>>) dst(%arg8 : memref<8x2048xf32, #tpu.memory_space<vmem>>)
    %add3A_113 = arith.constant 1 : i32
    %add3A_114 = arith.addi %add3A_88, %add3A_113 : i32
    %lt3A_115 = arith.constant 2 : i32
    %lt3A_116 = arith.cmpi slt, %add3A_114, %lt3A_115 : i32
    %convert_element_type3A_117 = arith.extui %lt3A_116 : i1 to i32
    %cond3A_118 = arith.constant 0 : i32
    %cond3A_119 = arith.cmpi ne, %convert_element_type3A_117, %cond3A_118 : i32
    scf.if %cond3A_119 {
      %add3A_189 = arith.constant 8 : i32
      %add3A_190 = arith.addi %add3A_91, %add3A_189 : i32
      %dma_start3A_191 = arith.constant 0 : i32
      %dma_start3A_192 = tpu.memref_slice %arg3[%add3A_190, %dma_start3A_191] : memref<4096x2048xf32, #tpu.memory_space<hbm>> -> memref<8x2048xf32, #tpu.memory_space<hbm>>
      %dma_start3A_193 = arith.constant 0 : i32
      %dma_start3A_194 = tpu.memref_slice %arg3[%add3A_190, %dma_start3A_193] : memref<4096x2048xf32, #tpu.memory_space<hbm>> -> memref<8x2048xf32, #tpu.memory_space<hbm>>
      tpu.enqueue_dma source(%dma_start3A_194 : memref<8x2048xf32, #tpu.memory_space<hbm>>) target(%arg5 : memref<8x2048xf32, #tpu.memory_space<vmem>>) target_semaphore(%arg9 : memref<!tpu.dma_semaphore, #tpu.memory_space<semaphore_mem>>)
      %gt3A = arith.constant 0 : i32
      %gt3A_195 = arith.cmpi sgt, %add3A_88, %gt3A : i32
      %convert_element_type3A_196 = arith.extui %gt3A_195 : i1 to i32
      %cond3A_197 = arith.constant 0 : i32
      %cond3A_198 = arith.cmpi ne, %convert_element_type3A_196, %cond3A_197 : i32
      scf.if %cond3A_198 {
        %dma_wait3A_214 = arith.constant 0 : i32
        %dma_wait3A_215 = arith.constant 0 : i32
        %dma_wait3A_216 = arith.constant 0 : i32
        %dma_wait3A_217 = tpu.memref_slice %arg4[%dma_wait3A_214, %dma_wait3A_215, %dma_wait3A_216] : memref<1x512x2048xf32, #tpu.memory_space<hbm>> -> memref<1x512x2048xf32, #tpu.memory_space<hbm>>
        %dma_wait3A_218 = tpu.memref_squeeze %dma_wait3A_217 : memref<1x512x2048xf32, #tpu.memory_space<hbm>> -> memref<512x2048xf32, #tpu.memory_space<hbm>>
        %dma_wait3A_219 = arith.constant 0 : i32
        %dma_wait3A_220 = arith.constant 0 : i32
        %dma_wait3A_221 = tpu.memref_slice %dma_wait3A_218[%dma_wait3A_219, %dma_wait3A_220] : memref<512x2048xf32, #tpu.memory_space<hbm>> -> memref<8x2048xf32, #tpu.memory_space<hbm>>
        %dma_wait3A_222 = arith.constant 0 : i32
        %dma_wait3A_223 = arith.constant 0 : i32
        %dma_wait3A_224 = tpu.memref_slice %arg4[%dma_wait3A_214, %dma_wait3A_222, %dma_wait3A_223] : memref<1x512x2048xf32, #tpu.memory_space<hbm>> -> memref<1x512x2048xf32, #tpu.memory_space<hbm>>
        %dma_wait3A_225 = tpu.memref_squeeze %dma_wait3A_224 : memref<1x512x2048xf32, #tpu.memory_space<hbm>> -> memref<512x2048xf32, #tpu.memory_space<hbm>>
        %dma_wait3A_226 = arith.constant 0 : i32
        %dma_wait3A_227 = arith.constant 0 : i32
        %dma_wait3A_228 = tpu.memref_slice %dma_wait3A_225[%dma_wait3A_226, %dma_wait3A_227] : memref<512x2048xf32, #tpu.memory_space<hbm>> -> memref<8x2048xf32, #tpu.memory_space<hbm>>
        tpu.wait_dma2 semaphore(%arg13 : memref<!tpu.dma_semaphore, #tpu.memory_space<semaphore_mem>>) src(%arg7 : memref<8x2048xf32, #tpu.memory_space<vmem>>) dst(%dma_wait3A_228 : memref<8x2048xf32, #tpu.memory_space<hbm>>)
      } else {
      }
      %add3A_199 = arith.constant 8 : i32
      %add3A_200 = arith.addi %add3A_91, %add3A_199 : i32
      %dma_start3A_201 = arith.constant 0 : i32
      %dma_start3A_202 = arith.constant 0 : i32
      %dma_start3A_203 = arith.constant 0 : i32
      %dma_start3A_204 = tpu.memref_slice %arg2[%dma_start3A_201, %dma_start3A_202, %dma_start3A_203] : memref<4x4096x2048xf32, #tpu.memory_space<hbm>> -> memref<1x4096x2048xf32, #tpu.memory_space<hbm>>
      %dma_start3A_205 = tpu.memref_squeeze %dma_start3A_204 : memref<1x4096x2048xf32, #tpu.memory_space<hbm>> -> memref<4096x2048xf32, #tpu.memory_space<hbm>>
      %dma_start3A_206 = arith.constant 0 : i32
      %dma_start3A_207 = tpu.memref_slice %dma_start3A_205[%add3A_200, %dma_start3A_206] : memref<4096x2048xf32, #tpu.memory_space<hbm>> -> memref<8x2048xf32, #tpu.memory_space<hbm>>
      %dma_start3A_208 = arith.constant 0 : i32
      %dma_start3A_209 = arith.constant 0 : i32
      %dma_start3A_210 = tpu.memref_slice %arg2[%dma_start3A_201, %dma_start3A_208, %dma_start3A_209] : memref<4x4096x2048xf32, #tpu.memory_space<hbm>> -> memref<1x4096x2048xf32, #tpu.memory_space<hbm>>
      %dma_start3A_211 = tpu.memref_squeeze %dma_start3A_210 : memref<1x4096x2048xf32, #tpu.memory_space<hbm>> -> memref<4096x2048xf32, #tpu.memory_space<hbm>>
      %dma_start3A_212 = arith.constant 0 : i32
      %dma_start3A_213 = tpu.memref_slice %dma_start3A_211[%add3A_200, %dma_start3A_212] : memref<4096x2048xf32, #tpu.memory_space<hbm>> -> memref<8x2048xf32, #tpu.memory_space<hbm>>
      tpu.enqueue_dma source(%dma_start3A_213 : memref<8x2048xf32, #tpu.memory_space<hbm>>) target(%arg7 : memref<8x2048xf32, #tpu.memory_space<vmem>>) target_semaphore(%arg11 : memref<!tpu.dma_semaphore, #tpu.memory_space<semaphore_mem>>)
    } else {
    }
    %parallel_loop3A_120 = arith.constant 0 : i32
    %parallel_loop3A_121 = arith.constant 128 : i32
    %parallel_loop3A_122 = arith.constant 1 : i32
    scf.for %parallel_loop3A_189 = %parallel_loop3A_120 to %parallel_loop3A_121 step %parallel_loop3A_122  : i32 {
      %parallel_loop3A_190 = arith.constant 16 : i32
      %parallel_loop3A_191 = arith.muli %parallel_loop3A_189, %parallel_loop3A_190 : i32
      %parallel_loop3A_192 = arith.constant 0 : i32
      %parallel_loop3A_193 = arith.index_cast %parallel_loop3A_192 : i32 to index
      %parallel_loop3A_194 = arith.index_cast %parallel_loop3A_191 : i32 to index
      %parallel_loop3A_195 = tpu.vector_load %arg8[%parallel_loop3A_193, %parallel_loop3A_194] {strides = array<i32>} : memref<8x2048xf32, #tpu.memory_space<vmem>>, vector<1x16xf32>,
      %parallel_loop3A_196 = vector.shape_cast %parallel_loop3A_195 : vector<1x16xf32> to vector<16xf32>
      %parallel_loop3A_197 = arith.constant 0 : i32
      %parallel_loop3A_198 = arith.index_cast %parallel_loop3A_197 : i32 to index
      %parallel_loop3A_199 = arith.index_cast %parallel_loop3A_191 : i32 to index
      %parallel_loop3A_200 = tpu.vector_load %arg6[%parallel_loop3A_198, %parallel_loop3A_199] {strides = array<i32>} : memref<8x2048xf32, #tpu.memory_space<vmem>>, vector<1x16xf32>,
      %parallel_loop3A_201 = vector.shape_cast %parallel_loop3A_200 : vector<1x16xf32> to vector<16xf32>
      %parallel_loop3A_202 = arith.addf %parallel_loop3A_196, %parallel_loop3A_201 : vector<16xf32>
      %parallel_loop3A_203 = arith.constant 0 : i32
      %parallel_loop3A_204 = arith.index_cast %parallel_loop3A_203 : i32 to index
      %parallel_loop3A_205 = arith.index_cast %parallel_loop3A_191 : i32 to index
      %parallel_loop3A_206 = tpu.vector_load %arg8[%parallel_loop3A_204, %parallel_loop3A_205] {strides = array<i32>} : memref<8x2048xf32, #tpu.memory_space<vmem>>, vector<1x16xf32>,
      %parallel_loop3A_207 = vector.shape_cast %parallel_loop3A_206 : vector<1x16xf32> to vector<16xf32>
      %parallel_loop3A_208 = vector.shape_cast %parallel_loop3A_202 : vector<16xf32> to vector<1x16xf32>
      tpu.vector_store %arg8[%parallel_loop3A_204, %parallel_loop3A_205], %parallel_loop3A_208 {strides = array<i32>} : memref<8x2048xf32, #tpu.memory_space<vmem>>, vector<1x16xf32>,
    } {sc.loop_unroll_factor = 8 : i64, sc.parallel_access}
    %parallel_loop3A_123 = arith.constant 0 : i32
    %parallel_loop3A_124 = arith.constant 128 : i32
    %parallel_loop3A_125 = arith.constant 1 : i32
    scf.for %parallel_loop3A_189 = %parallel_loop3A_123 to %parallel_loop3A_124 step %parallel_loop3A_125  : i32 {
      %parallel_loop3A_190 = arith.constant 16 : i32
      %parallel_loop3A_191 = arith.muli %parallel_loop3A_189, %parallel_loop3A_190 : i32
      %parallel_loop3A_192 = arith.constant 1 : i32
      %parallel_loop3A_193 = arith.index_cast %parallel_loop3A_192 : i32 to index
      %parallel_loop3A_194 = arith.index_cast %parallel_loop3A_191 : i32 to index
      %parallel_loop3A_195 = tpu.vector_load %arg8[%parallel_loop3A_193, %parallel_loop3A_194] {strides = array<i32>} : memref<8x2048xf32, #tpu.memory_space<vmem>>, vector<1x16xf32>,
      %parallel_loop3A_196 = vector.shape_cast %parallel_loop3A_195 : vector<1x16xf32> to vector<16xf32>
      %parallel_loop3A_197 = arith.constant 1 : i32
      %parallel_loop3A_198 = arith.index_cast %parallel_loop3A_197 : i32 to index
      %parallel_loop3A_199 = arith.index_cast %parallel_loop3A_191 : i32 to index
      %parallel_loop3A_200 = tpu.vector_load %arg6[%parallel_loop3A_198, %parallel_loop3A_199] {strides = array<i32>} : memref<8x2048xf32, #tpu.memory_space<vmem>>, vector<1x16xf32>,
      %parallel_loop3A_201 = vector.shape_cast %parallel_loop3A_200 : vector<1x16xf32> to vector<16xf32>
      %parallel_loop3A_202 = arith.addf %parallel_loop3A_196, %parallel_loop3A_201 : vector<16xf32>
      %parallel_loop3A_203 = arith.constant 1 : i32
      %parallel_loop3A_204 = arith.index_cast %parallel_loop3A_203 : i32 to index
      %parallel_loop3A_205 = arith.index_cast %parallel_loop3A_191 : i32 to index
      %parallel_loop3A_206 = tpu.vector_load %arg8[%parallel_loop3A_204, %parallel_loop3A_205] {strides = array<i32>} : memref<8x2048xf32, #tpu.memory_space<vmem>>, vector<1x16xf32>,
      %parallel_loop3A_207 = vector.shape_cast %parallel_loop3A_206 : vector<1x16xf32> to vector<16xf32>
      %parallel_loop3A_208 = vector.shape_cast %parallel_loop3A_202 : vector<16xf32> to vector<1x16xf32>
      tpu.vector_store %arg8[%parallel_loop3A_204, %parallel_loop3A_205], %parallel_loop3A_208 {strides = array<i32>} : memref<8x2048xf32, #tpu.memory_space<vmem>>, vector<1x16xf32>,
    } {sc.loop_unroll_factor = 8 : i64, sc.parallel_access}
    %parallel_loop3A_126 = arith.constant 0 : i32
    %parallel_loop3A_127 = arith.constant 128 : i32
    %parallel_loop3A_128 = arith.constant 1 : i32
    scf.for %parallel_loop3A_189 = %parallel_loop3A_126 to %parallel_loop3A_127 step %parallel_loop3A_128  : i32 {
      %parallel_loop3A_190 = arith.constant 16 : i32
      %parallel_loop3A_191 = arith.muli %parallel_loop3A_189, %parallel_loop3A_190 : i32
      %parallel_loop3A_192 = arith.constant 2 : i32
      %parallel_loop3A_193 = arith.index_cast %parallel_loop3A_192 : i32 to index
      %parallel_loop3A_194 = arith.index_cast %parallel_loop3A_191 : i32 to index
      %parallel_loop3A_195 = tpu.vector_load %arg8[%parallel_loop3A_193, %parallel_loop3A_194] {strides = array<i32>} : memref<8x2048xf32, #tpu.memory_space<vmem>>, vector<1x16xf32>,
      %parallel_loop3A_196 = vector.shape_cast %parallel_loop3A_195 : vector<1x16xf32> to vector<16xf32>
      %parallel_loop3A_197 = arith.constant 2 : i32
      %parallel_loop3A_198 = arith.index_cast %parallel_loop3A_197 : i32 to index
      %parallel_loop3A_199 = arith.index_cast %parallel_loop3A_191 : i32 to index
      %parallel_loop3A_200 = tpu.vector_load %arg6[%parallel_loop3A_198, %parallel_loop3A_199] {strides = array<i32>} : memref<8x2048xf32, #tpu.memory_space<vmem>>, vector<1x16xf32>,
      %parallel_loop3A_201 = vector.shape_cast %parallel_loop3A_200 : vector<1x16xf32> to vector<16xf32>
      %parallel_loop3A_202 = arith.addf %parallel_loop3A_196, %parallel_loop3A_201 : vector<16xf32>
      %parallel_loop3A_203 = arith.constant 2 : i32
      %parallel_loop3A_204 = arith.index_cast %parallel_loop3A_203 : i32 to index
      %parallel_loop3A_205 = arith.index_cast %parallel_loop3A_191 : i32 to index
      %parallel_loop3A_206 = tpu.vector_load %arg8[%parallel_loop3A_204, %parallel_loop3A_205] {strides = array<i32>} : memref<8x2048xf32, #tpu.memory_space<vmem>>, vector<1x16xf32>,
      %parallel_loop3A_207 = vector.shape_cast %parallel_loop3A_206 : vector<1x16xf32> to vector<16xf32>
      %parallel_loop3A_208 = vector.shape_cast %parallel_loop3A_202 : vector<16xf32> to vector<1x16xf32>
      tpu.vector_store %arg8[%parallel_loop3A_204, %parallel_loop3A_205], %parallel_loop3A_208 {strides = array<i32>} : memref<8x2048xf32, #tpu.memory_space<vmem>>, vector<1x16xf32>,
    } {sc.loop_unroll_factor = 8 : i64, sc.parallel_access}
    %parallel_loop3A_129 = arith.constant 0 : i32
    %parallel_loop3A_130 = arith.constant 128 : i32
    %parallel_loop3A_131 = arith.constant 1 : i32
    scf.for %parallel_loop3A_189 = %parallel_loop3A_129 to %parallel_loop3A_130 step %parallel_loop3A_131  : i32 {
      %parallel_loop3A_190 = arith.constant 16 : i32
      %parallel_loop3A_191 = arith.muli %parallel_loop3A_189, %parallel_loop3A_190 : i32
      %parallel_loop3A_192 = arith.constant 3 : i32
      %parallel_loop3A_193 = arith.index_cast %parallel_loop3A_192 : i32 to index
      %parallel_loop3A_194 = arith.index_cast %parallel_loop3A_191 : i32 to index
      %parallel_loop3A_195 = tpu.vector_load %arg8[%parallel_loop3A_193, %parallel_loop3A_194] {strides = array<i32>} : memref<8x2048xf32, #tpu.memory_space<vmem>>, vector<1x16xf32>,
      %parallel_loop3A_196 = vector.shape_cast %parallel_loop3A_195 : vector<1x16xf32> to vector<16xf32>
      %parallel_loop3A_197 = arith.constant 3 : i32
      %parallel_loop3A_198 = arith.index_cast %parallel_loop3A_197 : i32 to index
      %parallel_loop3A_199 = arith.index_cast %parallel_loop3A_191 : i32 to index
      %parallel_loop3A_200 = tpu.vector_load %arg6[%parallel_loop3A_198, %parallel_loop3A_199] {strides = array<i32>} : memref<8x2048xf32, #tpu.memory_space<vmem>>, vector<1x16xf32>,
      %parallel_loop3A_201 = vector.shape_cast %parallel_loop3A_200 : vector<1x16xf32> to vector<16xf32>
      %parallel_loop3A_202 = arith.addf %parallel_loop3A_196, %parallel_loop3A_201 : vector<16xf32>
      %parallel_loop3A_203 = arith.constant 3 : i32
      %parallel_loop3A_204 = arith.index_cast %parallel_loop3A_203 : i32 to index
      %parallel_loop3A_205 = arith.index_cast %parallel_loop3A_191 : i32 to index
      %parallel_loop3A_206 = tpu.vector_load %arg8[%parallel_loop3A_204, %parallel_loop3A_205] {strides = array<i32>} : memref<8x2048xf32, #tpu.memory_space<vmem>>, vector<1x16xf32>,
      %parallel_loop3A_207 = vector.shape_cast %parallel_loop3A_206 : vector<1x16xf32> to vector<16xf32>
      %parallel_loop3A_208 = vector.shape_cast %parallel_loop3A_202 : vector<16xf32> to vector<1x16xf32>
      tpu.vector_store %arg8[%parallel_loop3A_204, %parallel_loop3A_205], %parallel_loop3A_208 {strides = array<i32>} : memref<8x2048xf32, #tpu.memory_space<vmem>>, vector<1x16xf32>,
    } {sc.loop_unroll_factor = 8 : i64, sc.parallel_access}
    %parallel_loop3A_132 = arith.constant 0 : i32
    %parallel_loop3A_133 = arith.constant 128 : i32
    %parallel_loop3A_134 = arith.constant 1 : i32
    scf.for %parallel_loop3A_189 = %parallel_loop3A_132 to %parallel_loop3A_133 step %parallel_loop3A_134  : i32 {
      %parallel_loop3A_190 = arith.constant 16 : i32
      %parallel_loop3A_191 = arith.muli %parallel_loop3A_189, %parallel_loop3A_190 : i32
      %parallel_loop3A_192 = arith.constant 4 : i32
      %parallel_loop3A_193 = arith.index_cast %parallel_loop3A_192 : i32 to index
      %parallel_loop3A_194 = arith.index_cast %parallel_loop3A_191 : i32 to index
      %parallel_loop3A_195 = tpu.vector_load %arg8[%parallel_loop3A_193, %parallel_loop3A_194] {strides = array<i32>} : memref<8x2048xf32, #tpu.memory_space<vmem>>, vector<1x16xf32>,
      %parallel_loop3A_196 = vector.shape_cast %parallel_loop3A_195 : vector<1x16xf32> to vector<16xf32>
      %parallel_loop3A_197 = arith.constant 4 : i32
      %parallel_loop3A_198 = arith.index_cast %parallel_loop3A_197 : i32 to index
      %parallel_loop3A_199 = arith.index_cast %parallel_loop3A_191 : i32 to index
      %parallel_loop3A_200 = tpu.vector_load %arg6[%parallel_loop3A_198, %parallel_loop3A_199] {strides = array<i32>} : memref<8x2048xf32, #tpu.memory_space<vmem>>, vector<1x16xf32>,
      %parallel_loop3A_201 = vector.shape_cast %parallel_loop3A_200 : vector<1x16xf32> to vector<16xf32>
      %parallel_loop3A_202 = arith.addf %parallel_loop3A_196, %parallel_loop3A_201 : vector<16xf32>
      %parallel_loop3A_203 = arith.constant 4 : i32
      %parallel_loop3A_204 = arith.index_cast %parallel_loop3A_203 : i32 to index
      %parallel_loop3A_205 = arith.index_cast %parallel_loop3A_191 : i32 to index
      %parallel_loop3A_206 = tpu.vector_load %arg8[%parallel_loop3A_204, %parallel_loop3A_205] {strides = array<i32>} : memref<8x2048xf32, #tpu.memory_space<vmem>>, vector<1x16xf32>,
      %parallel_loop3A_207 = vector.shape_cast %parallel_loop3A_206 : vector<1x16xf32> to vector<16xf32>
      %parallel_loop3A_208 = vector.shape_cast %parallel_loop3A_202 : vector<16xf32> to vector<1x16xf32>
      tpu.vector_store %arg8[%parallel_loop3A_204, %parallel_loop3A_205], %parallel_loop3A_208 {strides = array<i32>} : memref<8x2048xf32, #tpu.memory_space<vmem>>, vector<1x16xf32>,
    } {sc.loop_unroll_factor = 8 : i64, sc.parallel_access}
    %parallel_loop3A_135 = arith.constant 0 : i32
    %parallel_loop3A_136 = arith.constant 128 : i32
    %parallel_loop3A_137 = arith.constant 1 : i32
    scf.for %parallel_loop3A_189 = %parallel_loop3A_135 to %parallel_loop3A_136 step %parallel_loop3A_137  : i32 {
      %parallel_loop3A_190 = arith.constant 16 : i32
      %parallel_loop3A_191 = arith.muli %parallel_loop3A_189, %parallel_loop3A_190 : i32
      %parallel_loop3A_192 = arith.constant 5 : i32
      %parallel_loop3A_193 = arith.index_cast %parallel_loop3A_192 : i32 to index
      %parallel_loop3A_194 = arith.index_cast %parallel_loop3A_191 : i32 to index
      %parallel_loop3A_195 = tpu.vector_load %arg8[%parallel_loop3A_193, %parallel_loop3A_194] {strides = array<i32>} : memref<8x2048xf32, #tpu.memory_space<vmem>>, vector<1x16xf32>,
      %parallel_loop3A_196 = vector.shape_cast %parallel_loop3A_195 : vector<1x16xf32> to vector<16xf32>
      %parallel_loop3A_197 = arith.constant 5 : i32
      %parallel_loop3A_198 = arith.index_cast %parallel_loop3A_197 : i32 to index
      %parallel_loop3A_199 = arith.index_cast %parallel_loop3A_191 : i32 to index
      %parallel_loop3A_200 = tpu.vector_load %arg6[%parallel_loop3A_198, %parallel_loop3A_199] {strides = array<i32>} : memref<8x2048xf32, #tpu.memory_space<vmem>>, vector<1x16xf32>,
      %parallel_loop3A_201 = vector.shape_cast %parallel_loop3A_200 : vector<1x16xf32> to vector<16xf32>
      %parallel_loop3A_202 = arith.addf %parallel_loop3A_196, %parallel_loop3A_201 : vector<16xf32>
      %parallel_loop3A_203 = arith.constant 5 : i32
      %parallel_loop3A_204 = arith.index_cast %parallel_loop3A_203 : i32 to index
      %parallel_loop3A_205 = arith.index_cast %parallel_loop3A_191 : i32 to index
      %parallel_loop3A_206 = tpu.vector_load %arg8[%parallel_loop3A_204, %parallel_loop3A_205] {strides = array<i32>} : memref<8x2048xf32, #tpu.memory_space<vmem>>, vector<1x16xf32>,
      %parallel_loop3A_207 = vector.shape_cast %parallel_loop3A_206 : vector<1x16xf32> to vector<16xf32>
      %parallel_loop3A_208 = vector.shape_cast %parallel_loop3A_202 : vector<16xf32> to vector<1x16xf32>
      tpu.vector_store %arg8[%parallel_loop3A_204, %parallel_loop3A_205], %parallel_loop3A_208 {strides = array<i32>} : memref<8x2048xf32, #tpu.memory_space<vmem>>, vector<1x16xf32>,
    } {sc.loop_unroll_factor = 8 : i64, sc.parallel_access}
    %parallel_loop3A_138 = arith.constant 0 : i32
    %parallel_loop3A_139 = arith.constant 128 : i32
    %parallel_loop3A_140 = arith.constant 1 : i32
    scf.for %parallel_loop3A_189 = %parallel_loop3A_138 to %parallel_loop3A_139 step %parallel_loop3A_140  : i32 {
      %parallel_loop3A_190 = arith.constant 16 : i32
      %parallel_loop3A_191 = arith.muli %parallel_loop3A_189, %parallel_loop3A_190 : i32
      %parallel_loop3A_192 = arith.constant 6 : i32
      %parallel_loop3A_193 = arith.index_cast %parallel_loop3A_192 : i32 to index
      %parallel_loop3A_194 = arith.index_cast %parallel_loop3A_191 : i32 to index
      %parallel_loop3A_195 = tpu.vector_load %arg8[%parallel_loop3A_193, %parallel_loop3A_194] {strides = array<i32>} : memref<8x2048xf32, #tpu.memory_space<vmem>>, vector<1x16xf32>,
      %parallel_loop3A_196 = vector.shape_cast %parallel_loop3A_195 : vector<1x16xf32> to vector<16xf32>
      %parallel_loop3A_197 = arith.constant 6 : i32
      %parallel_loop3A_198 = arith.index_cast %parallel_loop3A_197 : i32 to index
      %parallel_loop3A_199 = arith.index_cast %parallel_loop3A_191 : i32 to index
      %parallel_loop3A_200 = tpu.vector_load %arg6[%parallel_loop3A_198, %parallel_loop3A_199] {strides = array<i32>} : memref<8x2048xf32, #tpu.memory_space<vmem>>, vector<1x16xf32>,
      %parallel_loop3A_201 = vector.shape_cast %parallel_loop3A_200 : vector<1x16xf32> to vector<16xf32>
      %parallel_loop3A_202 = arith.addf %parallel_loop3A_196, %parallel_loop3A_201 : vector<16xf32>
      %parallel_loop3A_203 = arith.constant 6 : i32
      %parallel_loop3A_204 = arith.index_cast %parallel_loop3A_203 : i32 to index
      %parallel_loop3A_205 = arith.index_cast %parallel_loop3A_191 : i32 to index
      %parallel_loop3A_206 = tpu.vector_load %arg8[%parallel_loop3A_204, %parallel_loop3A_205] {strides = array<i32>} : memref<8x2048xf32, #tpu.memory_space<vmem>>, vector<1x16xf32>,
      %parallel_loop3A_207 = vector.shape_cast %parallel_loop3A_206 : vector<1x16xf32> to vector<16xf32>
      %parallel_loop3A_208 = vector.shape_cast %parallel_loop3A_202 : vector<16xf32> to vector<1x16xf32>
      tpu.vector_store %arg8[%parallel_loop3A_204, %parallel_loop3A_205], %parallel_loop3A_208 {strides = array<i32>} : memref<8x2048xf32, #tpu.memory_space<vmem>>, vector<1x16xf32>,
    } {sc.loop_unroll_factor = 8 : i64, sc.parallel_access}
    %parallel_loop3A_141 = arith.constant 0 : i32
    %parallel_loop3A_142 = arith.constant 128 : i32
    %parallel_loop3A_143 = arith.constant 1 : i32
    scf.for %parallel_loop3A_189 = %parallel_loop3A_141 to %parallel_loop3A_142 step %parallel_loop3A_143  : i32 {
      %parallel_loop3A_190 = arith.constant 16 : i32
      %parallel_loop3A_191 = arith.muli %parallel_loop3A_189, %parallel_loop3A_190 : i32
      %parallel_loop3A_192 = arith.constant 7 : i32
      %parallel_loop3A_193 = arith.index_cast %parallel_loop3A_192 : i32 to index
      %parallel_loop3A_194 = arith.index_cast %parallel_loop3A_191 : i32 to index
      %parallel_loop3A_195 = tpu.vector_load %arg8[%parallel_loop3A_193, %parallel_loop3A_194] {strides = array<i32>} : memref<8x2048xf32, #tpu.memory_space<vmem>>, vector<1x16xf32>,
      %parallel_loop3A_196 = vector.shape_cast %parallel_loop3A_195 : vector<1x16xf32> to vector<16xf32>
      %parallel_loop3A_197 = arith.constant 7 : i32
      %parallel_loop3A_198 = arith.index_cast %parallel_loop3A_197 : i32 to index
      %parallel_loop3A_199 = arith.index_cast %parallel_loop3A_191 : i32 to index
      %parallel_loop3A_200 = tpu.vector_load %arg6[%parallel_loop3A_198, %parallel_loop3A_199] {strides = array<i32>} : memref<8x2048xf32, #tpu.memory_space<vmem>>, vector<1x16xf32>,
      %parallel_loop3A_201 = vector.shape_cast %parallel_loop3A_200 : vector<1x16xf32> to vector<16xf32>
      %parallel_loop3A_202 = arith.addf %parallel_loop3A_196, %parallel_loop3A_201 : vector<16xf32>
      %parallel_loop3A_203 = arith.constant 7 : i32
      %parallel_loop3A_204 = arith.index_cast %parallel_loop3A_203 : i32 to index
      %parallel_loop3A_205 = arith.index_cast %parallel_loop3A_191 : i32 to index
      %parallel_loop3A_206 = tpu.vector_load %arg8[%parallel_loop3A_204, %parallel_loop3A_205] {strides = array<i32>} : memref<8x2048xf32, #tpu.memory_space<vmem>>, vector<1x16xf32>,
      %parallel_loop3A_207 = vector.shape_cast %parallel_loop3A_206 : vector<1x16xf32> to vector<16xf32>
      %parallel_loop3A_208 = vector.shape_cast %parallel_loop3A_202 : vector<16xf32> to vector<1x16xf32>
      tpu.vector_store %arg8[%parallel_loop3A_204, %parallel_loop3A_205], %parallel_loop3A_208 {strides = array<i32>} : memref<8x2048xf32, #tpu.memory_space<vmem>>, vector<1x16xf32>,
    } {sc.loop_unroll_factor = 8 : i64, sc.parallel_access}
    %dma_start3A_144 = arith.constant 0 : i32
    %dma_start3A_145 = arith.constant 0 : i32
    %dma_start3A_146 = arith.constant 0 : i32
    %dma_start3A_147 = tpu.memref_slice %arg4[%dma_start3A_144, %dma_start3A_145, %dma_start3A_146] : memref<1x512x2048xf32, #tpu.memory_space<hbm>> -> memref<1x512x2048xf32, #tpu.memory_space<hbm>>
    %dma_start3A_148 = tpu.memref_squeeze %dma_start3A_147 : memref<1x512x2048xf32, #tpu.memory_space<hbm>> -> memref<512x2048xf32, #tpu.memory_space<hbm>>
    %dma_start3A_149 = arith.constant 0 : i32
    %dma_start3A_150 = tpu.memref_slice %dma_start3A_148[%add3A_91, %dma_start3A_149] : memref<512x2048xf32, #tpu.memory_space<hbm>> -> memref<8x2048xf32, #tpu.memory_space<hbm>>
    %dma_start3A_151 = arith.constant 0 : i32
    %dma_start3A_152 = arith.constant 0 : i32
    %dma_start3A_153 = tpu.memref_slice %arg4[%dma_start3A_144, %dma_start3A_151, %dma_start3A_152] : memref<1x512x2048xf32, #tpu.memory_space<hbm>> -> memref<1x512x2048xf32, #tpu.memory_space<hbm>>
    %dma_start3A_154 = tpu.memref_squeeze %dma_start3A_153 : memref<1x512x2048xf32, #tpu.memory_space<hbm>> -> memref<512x2048xf32, #tpu.memory_space<hbm>>
    %dma_start3A_155 = arith.constant 0 : i32
    %dma_start3A_156 = tpu.memref_slice %dma_start3A_154[%add3A_91, %dma_start3A_155] : memref<512x2048xf32, #tpu.memory_space<hbm>> -> memref<8x2048xf32, #tpu.memory_space<hbm>>
    tpu.enqueue_dma source(%arg8 : memref<8x2048xf32, #tpu.memory_space<vmem>>) target(%dma_start3A_156 : memref<8x2048xf32, #tpu.memory_space<hbm>>) target_semaphore(%arg14 : memref<!tpu.dma_semaphore, #tpu.memory_space<semaphore_mem>>)
    %scan3A_157 = arith.constant 0 : i32
    %scan3A_158 = arith.constant 1 : i32
    %dma_wait3A_159 = arith.constant 0 : i32
    %dma_wait3A_160 = arith.constant 0 : i32
    %dma_wait3A_161 = arith.constant 0 : i32
    %dma_wait3A_162 = tpu.memref_slice %arg4[%dma_wait3A_159, %dma_wait3A_160, %dma_wait3A_161] : memref<1x512x2048xf32, #tpu.memory_space<hbm>> -> memref<1x512x2048xf32, #tpu.memory_space<hbm>>
    %dma_wait3A_163 = tpu.memref_squeeze %dma_wait3A_162 : memref<1x512x2048xf32, #tpu.memory_space<hbm>> -> memref<512x2048xf32, #tpu.memory_space<hbm>>
    %dma_wait3A_164 = arith.constant 0 : i32
    %dma_wait3A_165 = arith.constant 0 : i32
    %dma_wait3A_166 = tpu.memref_slice %dma_wait3A_163[%dma_wait3A_164, %dma_wait3A_165] : memref<512x2048xf32, #tpu.memory_space<hbm>> -> memref<8x2048xf32, #tpu.memory_space<hbm>>
    %dma_wait3A_167 = arith.constant 0 : i32
    %dma_wait3A_168 = arith.constant 0 : i32
    %dma_wait3A_169 = tpu.memref_slice %arg4[%dma_wait3A_159, %dma_wait3A_167, %dma_wait3A_168] : memref<1x512x2048xf32, #tpu.memory_space<hbm>> -> memref<1x512x2048xf32, #tpu.memory_space<hbm>>
    %dma_wait3A_170 = tpu.memref_squeeze %dma_wait3A_169 : memref<1x512x2048xf32, #tpu.memory_space<hbm>> -> memref<512x2048xf32, #tpu.memory_space<hbm>>
    %dma_wait3A_171 = arith.constant 0 : i32
    %dma_wait3A_172 = arith.constant 0 : i32
    %dma_wait3A_173 = tpu.memref_slice %dma_wait3A_170[%dma_wait3A_171, %dma_wait3A_172] : memref<512x2048xf32, #tpu.memory_space<hbm>> -> memref<8x2048xf32, #tpu.memory_space<hbm>>
    tpu.wait_dma2 semaphore(%arg13 : memref<!tpu.dma_semaphore, #tpu.memory_space<semaphore_mem>>) src(%arg7 : memref<8x2048xf32, #tpu.memory_space<vmem>>) dst(%dma_wait3A_173 : memref<8x2048xf32, #tpu.memory_space<hbm>>)
    %dma_wait3A_174 = arith.constant 0 : i32
    %dma_wait3A_175 = arith.constant 0 : i32
    %dma_wait3A_176 = arith.constant 0 : i32
    %dma_wait3A_177 = tpu.memref_slice %arg4[%dma_wait3A_174, %dma_wait3A_175, %dma_wait3A_176] : memref<1x512x2048xf32, #tpu.memory_space<hbm>> -> memref<1x512x2048xf32, #tpu.memory_space<hbm>>
    %dma_wait3A_178 = tpu.memref_squeeze %dma_wait3A_177 : memref<1x512x2048xf32, #tpu.memory_space<hbm>> -> memref<512x2048xf32, #tpu.memory_space<hbm>>
    %dma_wait3A_179 = arith.constant 0 : i32
    %dma_wait3A_180 = arith.constant 0 : i32
    %dma_wait3A_181 = tpu.memref_slice %dma_wait3A_178[%dma_wait3A_179, %dma_wait3A_180] : memref<512x2048xf32, #tpu.memory_space<hbm>> -> memref<8x2048xf32, #tpu.memory_space<hbm>>
    %dma_wait3A_182 = arith.constant 0 : i32
    %dma_wait3A_183 = arith.constant 0 : i32
    %dma_wait3A_184 = tpu.memref_slice %arg4[%dma_wait3A_174, %dma_wait3A_182, %dma_wait3A_183] : memref<1x512x2048xf32, #tpu.memory_space<hbm>> -> memref<1x512x2048xf32, #tpu.memory_space<hbm>>
    %dma_wait3A_185 = tpu.memref_squeeze %dma_wait3A_184 : memref<1x512x2048xf32, #tpu.memory_space<hbm>> -> memref<512x2048xf32, #tpu.memory_space<hbm>>
    %dma_wait3A_186 = arith.constant 0 : i32
    %dma_wait3A_187 = arith.constant 0 : i32
    %dma_wait3A_188 = tpu.memref_slice %dma_wait3A_185[%dma_wait3A_186, %dma_wait3A_187] : memref<512x2048xf32, #tpu.memory_space<hbm>> -> memref<8x2048xf32, #tpu.memory_space<hbm>>
    tpu.wait_dma2 semaphore(%arg14 : memref<!tpu.dma_semaphore, #tpu.memory_space<semaphore_mem>>) src(%arg8 : memref<8x2048xf32, #tpu.memory_space<vmem>>) dst(%dma_wait3A_188 : memref<8x2048xf32, #tpu.memory_space<hbm>>)
    return
  }
}

module attributes {stable_mosaic.version = 14 : i64} {
  func.func @_merge_body(%arg0: i32, %arg1: memref<1x512x2048xf32, #tpu.memory_space<vmem>>, %arg2: memref<4x4096x2048xf32, #tpu.memory_space<any>>, %arg3: memref<1x512x2048xf32, #tpu.memory_space<vmem>>) attributes {dimension_semantics = [#tpu.dimension_semantics<arbitrary>], iteration_bounds = array<i64: 1>, scalar_prefetch = 0 : i64, scratch_operands = 0 : i64, tpu.core_type = #tpu.core_type<tc>, window_params = [{transform_indices = @transform_0, window_bounds = array<i64: 1, 512, 2048>}, {}, {transform_indices = @transform_2, window_bounds = array<i64: 1, 512, 2048>}]} {
    %get3A = arith.constant 0 : index
    %get3A_0 = arith.constant 0 : index
    %get3A_1 = arith.constant 0 : index
    %get3A_2 = vector.load %arg1[%get3A, %get3A_0, %get3A_1] : memref<1x512x2048xf32, #tpu.memory_space<vmem>>, vector<1x512x2048xf32>
    %swap3A = arith.constant 0 : index
    %swap3A_3 = arith.constant 0 : index
    %swap3A_4 = arith.constant 0 : index
    %swap3A_5 = vector.load %arg3[%swap3A, %swap3A_3, %swap3A_4] : memref<1x512x2048xf32, #tpu.memory_space<vmem>>, vector<1x512x2048xf32>
    tpu.vector_store %arg3[%swap3A, %swap3A_3, %swap3A_4], %get3A_2 {strides = array<i32>} : memref<1x512x2048xf32, #tpu.memory_space<vmem>>, vector<1x512x2048xf32>,
    return
  }
  func.func @transform_0(%arg0: i32) -> (i32, i32, i32) {
    %c0_i32 = arith.constant 0 : i32
    %c0_i32_0 = arith.constant 0 : i32
    %c0_i32_1 = arith.constant 0 : i32
    return %c0_i32, %arg0, %c0_i32_0 : i32, i32, i32
  }
  func.func @transform_2(%arg0: i32) -> (i32, i32, i32) {
    %c0_i32 = arith.constant 0 : i32
    %c0_i32_0 = arith.constant 0 : i32
    %c0_i32_1 = arith.constant 0 : i32
    return %c0_i32, %arg0, %c0_i32_0 : i32, i32, i32
  }
}

module attributes {stable_mosaic.version = 14 : i64} {
  func.func @_tc_body(%arg0: i32, %arg1: i32, %arg2: memref<1x512x2048xf32, #tpu.memory_space<vmem>>, %arg3: memref<512x2048xf32, #tpu.memory_space<vmem>>, %arg4: memref<1x512x2048xf32, #tpu.memory_space<vmem>>) attributes {dimension_semantics = [#tpu.dimension_semantics<arbitrary>, #tpu.dimension_semantics<arbitrary>], iteration_bounds = array<i64: 8, 4>, scalar_prefetch = 0 : i64, scratch_operands = 0 : i64, tpu.core_type = #tpu.core_type<tc>, window_params = [{transform_indices = @transform_0, window_bounds = array<i64: 1, 512, 2048>}, {transform_indices = @transform_1, window_bounds = array<i64: 512, 2048>}, {transform_indices = @transform_2, window_bounds = array<i64: 1, 512, 2048>}]} {
    %get3A = arith.constant 0 : index
    %get3A_0 = arith.constant 0 : index
    %get3A_1 = arith.constant 0 : index
    %get3A_2 = vector.load %arg2[%get3A, %get3A_0, %get3A_1] : memref<1x512x2048xf32, #tpu.memory_space<vmem>>, vector<1x512x2048xf32>
    %get3A_3 = arith.constant 0 : index
    %get3A_4 = arith.constant 0 : index
    %get3A_5 = vector.load %arg3[%get3A_3, %get3A_4] : memref<512x2048xf32, #tpu.memory_space<vmem>>, vector<512x2048xf32>
    %broadcast_in_dim3A = vector.shape_cast %get3A_5 : vector<512x2048xf32> to vector<1x512x2048xf32>
    %add3A = arith.addf %get3A_2, %broadcast_in_dim3A : vector<1x512x2048xf32>
    %swap3A = arith.constant 0 : index
    %swap3A_6 = arith.constant 0 : index
    %swap3A_7 = arith.constant 0 : index
    %swap3A_8 = vector.load %arg4[%swap3A, %swap3A_6, %swap3A_7] : memref<1x512x2048xf32, #tpu.memory_space<vmem>>, vector<1x512x2048xf32>
    tpu.vector_store %arg4[%swap3A, %swap3A_6, %swap3A_7], %add3A {strides = array<i32>} : memref<1x512x2048xf32, #tpu.memory_space<vmem>>, vector<1x512x2048xf32>,
    return
  }
  func.func @transform_0(%arg0: i32, %arg1: i32) -> (i32, i32, i32) {
    %eq3A = arith.constant 0 : i32
    %eq3A_0 = arith.cmpi eq, %arg1, %eq3A : i32
    %lt3A = arith.constant 1 : i32
    %lt3A_1 = arith.cmpi slt, %arg0, %lt3A : i32
    %and3A = arith.andi %eq3A_0, %lt3A_1 : i1
    %jit3A = arith.constant 1 : i32
    %select_n3A = arith.select %and3A, %jit3A, %arg1 : i32
    %c0_i32 = arith.constant 0 : i32
    %c0_i32_2 = arith.constant 0 : i32
    return %select_n3A, %arg0, %c0_i32 : i32, i32, i32
  }
  func.func @transform_1(%arg0: i32, %arg1: i32) -> (i32, i32) {
    %c0_i32 = arith.constant 0 : i32
    %c0_i32_0 = arith.constant 0 : i32
    return %arg0, %c0_i32 : i32, i32
  }
  func.func @transform_2(%arg0: i32, %arg1: i32) -> (i32, i32, i32) {
    %eq3A = arith.constant 0 : i32
    %eq3A_0 = arith.cmpi eq, %arg1, %eq3A : i32
    %lt3A = arith.constant 1 : i32
    %lt3A_1 = arith.cmpi slt, %arg0, %lt3A : i32
    %and3A = arith.andi %eq3A_0, %lt3A_1 : i1
    %jit3A = arith.constant 1 : i32
    %select_n3A = arith.select %and3A, %jit3A, %arg1 : i32
    %c0_i32 = arith.constant 0 : i32
    %c0_i32_2 = arith.constant 0 : i32
    return %select_n3A, %arg0, %c0_i32 : i32, i32, i32
  }
}

</mosaic_0001>

<sc_bundles>
// kernel: kernel.5.cloned.1.call-start
scs
__scs_entry_jumppad:
0x0: {  	(pc) =	sbr.rel $0x88, $3  }
0x1: {  	(tag) =	ssettag $0x0;
	lr =	simm.s32 $0x1  }
0x2: {  	[smem:$0x3F9F] =	sst lr;
	_ =	strace $0xD0000000  }
0x3: {  	_ = 	snop  }
0x4: {  	_ = 	snop  }
0x5: {  	_ = 	snop  }
0x6: {  	_ = 	snop  }
0x7: {  	_ = 	snop  }
__scs_overlays_trampoline_lowered:
0x8: {  	[smem:$0x3FAE] =	sst s0  }
0x9: {  	[smem:$0x3FAF] =	sst s1  }
0xa: {  	[smem:$0x3FB0] =	sst s2  }
0xb: {  	[smem:$0x3FB1] =	sst s3  }
0xc: {  	[smem:$0x3FB2] =	sst s4  }
0xd: {  	[smem:$0x3FB3] =	sst s5  }
0xe: {  	[smem:$0x3FB4] =	sst s6  }
0xf: {  	[smem:$0x3FB5] =	sst s7  }
0x10: {  	[smem:$0x3FB6] =	sst s8  }
0x11: {  	[smem:$0x3FB7] =	sst s9;
	s0 =	simm.s32 @!p0 $0x0  }
0x12: {  	s1 =	sld [smem:$0x3F9D];
	s0 =	simm.s32 @p0 $0x1  }
0x13: {  	[smem:$0x3FB8] =	sst s0;
	s0 =	simm.s32 @!p1 $0x0  }
0x14: {  	s2 =	sld [smem:$0x3F9C];
	s0 =	simm.s32 @p1 $0x1  }
0x15: {  	[smem:$0x3FB9] =	sst s0;
	s0 =	simm.s32 @!p2 $0x0  }
0x16: {  	s3 =	sld [smem:$0x3FDB];
	s0 =	simm.s32 @p2 $0x1  }
0x17: {  	s4 =	simm.s32 $0x1BF5;
	[smem:$0x3FBB] =	sst s0  }
0x18: {  	s0 =	sld [smem:$0x3F9E];
	_ =	swait.ge [sflag:s4], $0x0  }
0x19: {  	s7 =	sld [smem:$0x3F9F]  }
0x1a: {  	s8 =	sadd.s32 $0xFFFFE003, lr  }
0x1b: {  	s9 =	sadd.s32 $0xFFFFFEF7, lr;
	s5 =	simm.s32 $0xFFFFFFFF;
	p2 =	slt.u32 s8, $0xFFFFF086  }
0x1c: {  	p1 =	slt.u32 s9, $0xF7A;
	s5 =	simm.s32 @!p2 $0x0  }
0x1d: {  	s5 =	simm.s32 @p1 $0x1;
	p0 =	seq.s32 s7, s2  }
0x1e: {  	s7 =	smul.u32 @!p0 $0xF7A, s2;
	p2 =	seq.s32 @!p0 s5, $0x0  }
0x1f: {  	s9 =	smul.u32 $0xF7A, s1;
	s8 =	simm.s32 @!p0 $0x1BF5;
	p2 =	por !p2, p0  }
0x20: {  	[sflag:s8] =	ssyncset.s32 @!p0 $0xFFFFF086;
	s6 =	sadd.s32 @!p0 s3, s7;
	s7 =	simm.s32 @!p0 $0x108  }
0x21: {  	s3 =	sadd.s32 s3, s9;
	s6 =	sadd.s32 @!p0 $0x88, s6;
	s7 =	simm.s32 @p2 $0x1082  }
0x22: {  	[simem:s7], [sflag:s8] =	dma.local @!p0 [hbm:s6], $0xF7A  }
0x23: {  	s9 =	sor.u32 $0xD0000000, s2;
	s6 =	simm.s32 $0x108;
	_ =	swait.ge @!p0 [sflag:s8], $0x0  }
0x24: {  	s3 =	sadd.s32 $0x88, s3;
	s6 =	simm.s32 @!p1 $0x1082;
	[sflag:s4] =	ssyncset.s32 $0xFFFFF086  }
0x25: {  	[simem:s6], [sflag:s4] =	dma.local [hbm:s3], $0xF7A  }
0x26: {  	[smem:$0x3F9F] =	sst s1;
	(tag) =	ssettag s2;
	_ =	strace s9  }
0x27: {  	s1 =	sld [smem:$0x3FAF]  }
0x28: {  	s2 =	sld [smem:$0x3FB0]  }
0x29: {  	s4 =	sld [smem:$0x3FB2]  }
0x2a: {  	p0 =	seq.s32 s5, $0x0;
	s5 =	sld [smem:$0x3FB3]  }
0x2b: {  	s6 =	sld [smem:$0x3FB4]  }
0x2c: {  	s7 =	sld [smem:$0x3FB5]  }
0x2d: {  	s3 =	simm.s32 $0x108;
	s8 =	sld [smem:$0x3FB6]  }
0x2e: {  	s3 =	simm.s32 @!p0 $0x1082;
	s9 =	sld [smem:$0x3FB7]  }
0x2f: {  	lr =	sadd.s32 s0, s3;
	s0 =	sld [smem:$0x3FAE]  }
0x30: {  	s3 =	sld [smem:$0x3FB1]  }
0x31: {  	[smem:$0x3FBA] =	sst s10  }
0x32: {  	s10 =	sld [smem:$0x3FB8];
	_ =	sdelay $0x3  }
0x33: {  	p0 =	seq.s32 s10, $0x1;
	s10 =	sld [smem:$0x3FBA];
	_ =	sdelay $0x3  }
0x34: {  	[smem:$0x3FBA] =	sst s10  }
0x35: {  	s10 =	sld [smem:$0x3FB9];
	_ =	sdelay $0x3  }
0x36: {  	p1 =	seq.s32 s10, $0x1;
	s10 =	sld [smem:$0x3FBA];
	_ =	sdelay $0x3  }
0x37: {  	[smem:$0x3FBA] =	sst s10  }
0x38: {  	s10 =	sld [smem:$0x3FBB]  }
0x39: {  	_ = 	snop;
	(pc) =	sbr.ind lr, $3  }
0x3a: {  	_ = 	snop  }
0x3b: {  	_ = 	snop  }
0x3c: {  	p2 =	seq.s32 s10, $0x1;
	s10 =	sld [smem:$0x3FBA]  }
0x3d: {  	_ =	shalt  }
0x3e: {  	_ =	shalt  }
0x3f: {  	_ =	shalt  }
0x40: {  	_ =	shalt  }
0x41: {  	_ =	shalt  }
0x42: {  	_ =	shalt  }
0x43: {  	_ =	shalt  }
0x44: {  	_ =	shalt  }
0x45: {  	_ =	shalt  }
0x46: {  	_ =	shalt  }
0x47: {  	_ =	shalt  }
0x48: {  	_ =	shalt  }
0x49: {  	_ =	shalt  }
0x4a: {  	_ =	shalt  }
0x4b: {  	_ =	shalt  }
0x4c: {  	_ =	shalt  }
0x4d: {  	_ =	shalt  }
0x4e: {  	_ =	shalt  }
0x4f: {  	_ =	shalt  }
0x50: {  	_ =	shalt  }
0x51: {  	_ =	shalt  }
0x52: {  	_ =	shalt  }
0x53: {  	_ =	shalt  }
0x54: {  	_ =	shalt  }
0x55: {  	_ =	shalt  }
0x56: {  	_ =	shalt  }
0x57: {  	_ =	shalt  }
0x58: {  	_ =	shalt  }
0x59: {  	_ =	shalt  }
0x5a: {  	_ =	shalt  }
0x5b: {  	_ =	shalt  }
0x5c: {  	_ =	shalt  }
0x5d: {  	_ =	shalt  }
0x5e: {  	_ =	shalt  }
0x5f: {  	_ =	shalt  }
0x60: {  	_ =	shalt  }
0x61: {  	_ =	shalt  }
0x62: {  	_ =	shalt  }
0x63: {  	_ =	shalt  }
0x64: {  	_ =	shalt  }
0x65: {  	_ =	shalt  }
0x66: {  	_ =	shalt  }
0x67: {  	_ =	shalt  }
0x68: {  	_ =	shalt  }
0x69: {  	_ =	shalt  }
0x6a: {  	_ =	shalt  }
0x6b: {  	_ =	shalt  }
0x6c: {  	_ =	shalt  }
0x6d: {  	_ =	shalt  }
0x6e: {  	_ =	shalt  }
0x6f: {  	_ =	shalt  }
0x70: {  	_ =	shalt  }
0x71: {  	_ =	shalt  }
0x72: {  	_ =	shalt  }
0x73: {  	_ =	shalt  }
0x74: {  	_ =	shalt  }
0x75: {  	_ =	shalt  }
0x76: {  	_ =	shalt  }
0x77: {  	_ =	shalt  }
0x78: {  	_ =	shalt  }
0x79: {  	_ =	shalt  }
0x7a: {  	_ =	shalt  }
0x7b: {  	_ =	shalt  }
0x7c: {  	_ =	shalt  }
0x7d: {  	_ =	shalt  }
0x7e: {  	_ =	shalt  }
0x7f: {  	_ =	shalt  }
0x80: {  	_ =	shalt  }
0x81: {  	_ =	shalt  }
0x82: {  	_ =	shalt  }
0x83: {  	_ =	shalt  }
0x84: {  	_ =	shalt  }
0x85: {  	_ =	shalt  }
0x86: {  	_ =	shalt  }
0x87: {  	_ =	shalt  }
.Lfunc_end0:
.L_simem_size_0:
called_computation_lowered:
.L_overlay_start_0:
0x88: {  	s2 =	sld [smem:$0x3FD9]  }
0x89: {  	s3 =	sld [smem:$0x3FFE];
	_ =	sdelay $0x1  }
0x8a: {  	s1 =	srdreg.scid  }
0x8b: {  	s0 =	sand.u32 $0x1, s1  }
0x8c: {  	s17 =	sshll.u32 s0, $0xA;
	s2 =	sadd.s32 s3, s2  }
0x8d: {  	s2 =	sadd.s32 s2, s17  }
0x8e: {  	[smem:$0x3FC6] =	sst s2  }
0x8f: {  	_ = 	snop  }
0x90: {  	s2 =	sld [smem:$0x3FC9]  }
0x91: {  	s18 =	sld [smem:$0x3FC8];
	(tm) =	ssettm $0x1  }
0x92: {  	s4 =	sld [smem:$0x3FFB];
	_ =	sdelay $0x3  }
0x93: {  	_ =	strace s4  }
0x94: {  	s4 =	sld [smem:$0x3FFC];
	_ =	sdelay $0x3  }
0x95: {  	_ =	strace s4  }
0x96: {  	s4 =	sld [smem:$0x3FFD];
	_ =	sdelay $0x3  }
0x97: {  	_ =	strace s4  }
0x98: {  	_ =	strace $0x8FFFFFFF  }
0x99: {  	s19 =	sld [smem:$0x3FDB];
	_ =	sdelay $0x1  }
0x9a: {  	s5 =	simm.s32 $_scs_section_size  }
0x9b: {  	s6 =	simm.s32 $_size__tile_overlayer_lowered;
	s7 =	simm.s32 $_tile_overlayer_lowered  }
0x9c: {  	s22 =	simm.s32 $0x1BFF;
	s21 =	sshll.u32 s7, $0x1;
	s4 =	sadd.s32 s5, s19  }
0x9d: {  	s8 =	simm.s32 $0x0;
	s20 =	sshll.u32 s6, $0x1;
	s6 =	sadd.s32 s21, s4  }
0x9e: {  	[timem:s8], [sflag:s22] =	dma.local [hbm:s6], s20  }
0x9f: {  	_ =	swait.ge [sflag:s22], s20  }
0xa0: {  	s5 =	ssub.s32 $0x0, s20;
	[sflag:s22] =	ssyncset.done $0x0  }
0xa1: {  	[sflag:s22] =	ssyncadd.s32 s5;
	_ =	sdelay $0x1  }
0xa2: {  	s23 =	simm.s32 $0x1B8B  }
0xa3: {  	_ =	swait.ge [sflag:s23], $0x1  }
0xa4: {  	[sflag:s23] =	ssyncset.done $0x0  }
0xa5: {  	s25 =	simm.s32 $0x1B8E;
	s24 =	sld [smem:$0x3FFE];
	[sflag:s23] =	ssyncadd.s32 $0xFFFFFFFF  }
0xa6: {  	s26 =	simm.s32 $execute0_lowered;
	[smem:$0x3FD2] =	sst s25  }
0xa7: {  	s6 =	sshll.u32 s26, $0x1;
	_ =	strace $0x80000046;
	[dreg:$0x1] =	wrdreg $0xFFFFFFFF  }
0xa8: {  	s28 =	simm.s32 $_size_execute0_lowered;
	s4 =	sadd.s32 s4, s6;
	[dreg:$0x0] =	wrdreg $0x0  }
0xa9: {  	s6 =	sshll.u32 s28, $0x1;
	[dreg:$0x2] =	wrdreg s4  }
0xaa: {  	[dreg:$0x3] =	wrdreg s6  }
0xab: {  	[dreg:$0x4] =	wrdreg $0xC0  }
0xac: {  	_ =	task [dreg:s8], $0x5FFFF  }
0xad: {  	[dreg:$0x1] =	wrdreg $0xFFFFFFFF  }
0xae: {  	[dreg:$0x0] =	wrdreg $0x60  }
0xaf: {  	[dreg:$0x2] =	wrdreg s2  }
0xb0: {  	[dreg:$0x3] =	wrdreg s18  }
0xb1: {  	[dreg:$0x4] =	wrdreg s24  }
0xb2: {  	[dreg:$0x5] =	wrdreg $0x9  }
0xb3: {  	_ =	task.clear_ibuf [dreg:s8], $0x6FFFF;
	_ =	strace $0x90000046  }
0xb4: {  	s29 =	simm.s32 $0x9;
	_ =	strace $0x80000048  }
0xb5: {  	_ =	swait.ge [sflag:s29], $0x1  }
0xb6: {  	[sflag:s29] =	ssyncadd.s32 $0xFFFFFFFF  }
0xb7: {  	_ =	strace $0x90000048  }
0xb8: {  	_ =	sfence  }
0xb9: {  	s30 =	sld [smem:$0x0];
	_ =	sdelay $0x2  }
0xba: {  	s31 =	sshll.u32 s1, $0xD;
	s1 =	sshrl.u32 s1, $0x2  }
0xbb: {  	s3 =	sand.u32 $0x4000, s31;
	s1 =	sadd.s32 s1, s30  }
0xbc: {  	s0 =	sor.u32 s3, s0;
	s1 =	sshll.u32 s1, $0x11  }
0xbd: {  	s0 =	sor.u32 s1, s0  }
0xbe: {  	s0 =	sadd.s32 $0x8F2B, s0  }
0xbf: {  	[sflag:s0] =	ssyncadd.remote.s32 $0x1  }
0xc0: {  	_ =	sfence.sel $0xFFFF  }
0xc1: {  	[dreg:$0x0] =	wrdreg $0xFFFFFFFF;
	(pc) =	sbr.abs _section_cstart, $3  }
0xc2: {  	[dreg:$0x1] =	wrdreg $0xFFFFFFFF  }
0xc3: {  	_ =	task.clear_ibuf [dreg:s8], $0x2FFFF;
	_ =	strace $0x9FFFFFFF  }
0xc4: {  	(tm) =	ssettm $0x7FFFFFFF  }
0xc5: {  	_ =	shalt  }
tec
execute0_lowered:
.L_overlay_start_1:
0x0: {  	(tag) =	ssettag $0x1  }
0x1: {  	s6 =	rddreg [dreg:$0x0]  }
0x2: {  	s5 =	rddreg [dreg:$0x1]  }
0x3: {  	s3 =	rddreg [dreg:$0x2]  }
0x4: {  	s0 =	rddreg [dreg:$0x3];
	s1 =	simm.s32 $0x0  }
0x5: {  	s2 =	srdreg.scid;
	s12 =	simm.s32 $0x3;
	s13 =	simm.s32 $0x4000  }
0x6: {  	s14 =	simm.s32 $0xC000;
	s15 =	simm.s32 $0x2;
	s16 =	simm.s32 $0x4  }
0x7: {  	s17 =	simm.s32 $0x5;
	s18 =	simm.s32 $0x6;
	s19 =	simm.s32 $0x0  }
0x8: {  	[smem:$0x7FF] =	sst s1;
	s4 =	sand.u32 $0x1, s2;
	s2 =	stileid.u32  }
0x9: {  	s7 =	ssub.s32 $0x2, s4;
	s9 =	sshll.u32 s2, $0xD;
	s4 =	sshll.u32 s4, $0xC  }
0xa: {  	s10 =	sadd.s32 $0x600, s3;
	s8 =	sshrl.u32 s7, $0x1;
	s30 =	sor.u32 s4, s9  }
0xb: {  	_ =	strace $0x80000047;
	s11 =	ssub.s32 s7, s8;
	s3 =	sadd.s32 s5, s30  }
0xc: {  	s4 =	sadd.s32 s6, s30;
	s31 =	sor.u32 $0x800, s30;
	s7 =	sadd.s32 s10, s30  }
0xd: {  	s5 =	sadd.s32 s5, s31;
	s6 =	sadd.s32 s6, s31;
	s8 =	sadd.s32 s10, s31  }
0xe: {  	s9 =	smax.u32 s11, $0x1;
	s10 =	simm.s32 $0x8000;
	s11 =	simm.s32 $0x1  }
.LBB2_1:
0xf: {  	[tilespmem:s1], [sflag:$0x1] =	stream.linear.gather [hbm4b:s3+s1], $0x4000, $0x38;
	[tilespmem:$0x10000] =	vst v63  }
0x10: {  	_ = 	snop  }
0x11: {  	[tilespmem:s10], [sflag:$0x3] =	stream.linear.gather [hbm4b:s4+s1], $0x4000, $0x38;
	[tilespmem:$0x10000] =	vst v63  }
0x12: {  	_ =	swait.ge [sflag:s11], $0x4000  }
0x13: {  	[sflag:s11] =	ssyncset.done $0x0  }
0x14: {  	[sflag:s11] =	ssyncadd.s32 $0xFFFFC000  }
0x15: {  	_ =	swait.ge [sflag:s12], $0x4000  }
0x16: {  	[sflag:s12] =	ssyncset.done $0x0  }
0x17: {  	[sflag:s12] =	ssyncadd.s32 $0xFFFFC000  }
0x18: {  	[tilespmem:s13], [sflag:$0x2] =	stream.linear.gather [hbm4b:s5+s1], $0x4000, $0x38;
	[tilespmem:$0x10000] =	vst v63  }
0x19: {  	s21 =	simm.s32 $0x8040  }
0x1a: {  	[tilespmem:s14], [sflag:$0x4] =	stream.linear.gather [hbm4b:s6+s1], $0x4000, $0x38;
	[tilespmem:$0x10000] =	vst v63  }
0x1b: {  	s23 =	simm.s32 $0x40;
	v1 =	vld [tilespmem:s21+$0x30]  }
0x1c: {  	v2 =	vld [tilespmem:s23+$0x30]  }
0x1d: {  	v0 =	vld [tilespmem:s23+$0xFFFFFFC0]  }
0x1e: {  	v3 =	vld [tilespmem:s21+$0xFFFFFFD0]  }
0x1f: {  	v4 =	vld [tilespmem:s23+$0xFFFFFFD0]  }
0x20: {  	v5 =	vld [tilespmem:s21+$0xFFFFFFE0]  }
0x21: {  	v6 =	vld [tilespmem:s23+$0xFFFFFFE0]  }
0x22: {  	v7 =	vld [tilespmem:s21+$0xFFFFFFF0]  }
0x23: {  	v8 =	vld [tilespmem:s23+$0xFFFFFFF0]  }
0x24: {  	v9 =	vld [tilespmem:s21+$0x0]  }
0x25: {  	v10 =	vld [tilespmem:s23+$0x0];
	v2 =	vadd.f32 v2, v1  }
0x26: {  	v4 =	vadd.f32 v4, v3;
	v1 =	vld [tilespmem:s21+$0x10]  }
0x27: {  	v5 =	vadd.f32 v6, v5;
	v3 =	vld [tilespmem:s23+$0x10];
	[tilespmem:s21+$0x30] =	vst v2  }
0x28: {  	v6 =	vadd.f32 v8, v7;
	[tilespmem:s21+$0xFFFFFFD0] =	vst v4;
	v2 =	vld [tilespmem:s21+$0x20]  }
0x29: {  	s24 =	simm.s32 $0x0;
	[tilespmem:s21+$0xFFFFFFE0] =	vst v5;
	v4 =	vld [tilespmem:s23+$0x20]  }
0x2a: {  	s22 =	simm.s32 $0xF0;
	s20 =	simm.s32 $0x80F0;
	s25 =	simm.s32 $0x8440;
	v5 =	vld [tilespmem:s21+$0xFFFFFFC0];
	[tilespmem:s21+$0xFFFFFFF0] =	vst v6;
	v6 =	vadd.f32 v10, v9  }
.LBB2_2:
0x2b: {  	v7 =	vld [tilespmem:s25+$0x30];
	s23 =	sadd.s32 $0x400, s23  }
0x2c: {  	s24 =	sadd.s32 $0x8, s24;
	v8 =	vld [tilespmem:s23+$0x30];
	[tilespmem:s21+$0x0] =	vst v6;
	v1 =	vadd.f32 v3, v1  }
0x2d: {  	p0 =	slt.u32 s24, $0x78;
	v3 =	vld [tilespmem:s23+$0xFFFFFFC0]  }
0x2e: {  	v6 =	vld [tilespmem:s25+$0xFFFFFFD0];
	[tilespmem:s21+$0x10] =	vst v1;
	v1 =	vadd.f32 v4, v2  }
0x2f: {  	v2 =	vld [tilespmem:s23+$0xFFFFFFD0];
	v9 =	vadd.f32 v0, v5  }
0x30: {  	v4 =	vld [tilespmem:s25+$0xFFFFFFE0];
	[tilespmem:s21+$0x20] =	vst v1  }
0x31: {  	v1 =	vld [tilespmem:s23+$0xFFFFFFE0];
	v5 =	vadd.f32 v8, v7;
	[tilespmem:s21+$0xFFFFFFC0] =	vst v9;
	s21 =	smov.u32 s25  }
0x32: {  	v7 =	vld [tilespmem:s25+$0xFFFFFFF0];
	v0 =	vmov v3  }
0x33: {  	v8 =	vld [tilespmem:s23+$0xFFFFFFF0];
	[tilespmem:s25+$0x30] =	vst v5  }
0x34: {  	v2 =	vadd.f32 v2, v6;
	v6 =	vld [tilespmem:s25+$0x0]  }
0x35: {  	v9 =	vld [tilespmem:s23+$0x0]  }
.Ltmp0:
0x36: {  	[tilespmem:s25+$0xFFFFFFD0] =	vst v2;
	v2 =	vadd.f32 v1, v4;
	v1 =	vld [tilespmem:s25+$0x10];
	(pc) =	sbr.rel @p0 .LBB2_2-.Ltmp0, $4  }
0x37: {  	v3 =	vld [tilespmem:s23+$0x10]  }
0x38: {  	[tilespmem:s25+$0xFFFFFFE0] =	vst v2;
	v7 =	vadd.f32 v8, v7;
	v2 =	vld [tilespmem:s25+$0x20]  }
0x39: {  	v4 =	vld [tilespmem:s23+$0x20]  }
0x3a: {  	s25 =	sadd.s32 $0x400, s25;
	v5 =	vld [tilespmem:s21+$0xFFFFFFC0];
	[tilespmem:s21+$0xFFFFFFF0] =	vst v7;
	v6 =	vadd.f32 v9, v6  }
0x3b: {  	_ =	sdelay $0x1  }
0x3c: {  	v1 =	vadd.f32 v3, v1  }
0x3d: {  	[tilespmem:s21+$0x0] =	vst v6;
	v2 =	vadd.f32 v4, v2  }
0x3e: {  	[tilespmem:s21+$0x10] =	vst v1;
	v0 =	vadd.f32 v0, v5  }
0x3f: {  	[tilespmem:s21+$0x20] =	vst v2  }
0x40: {  	[tilespmem:s21+$0xFFFFFFC0] =	vst v0  }
0x41: {  	v1 =	vld [tilespmem:s20+$0x0]  }
0x42: {  	v2 =	vld [tilespmem:s22+$0x0]  }
0x43: {  	v0 =	vld [tilespmem:s22+$0xFFFFFF90]  }
0x44: {  	v3 =	vld [tilespmem:s20+$0xFFFFFFA0]  }
0x45: {  	v4 =	vld [tilespmem:s22+$0xFFFFFFA0]  }
0x46: {  	v5 =	vld [tilespmem:s20+$0xFFFFFFB0]  }
0x47: {  	v6 =	vld [tilespmem:s22+$0xFFFFFFB0]  }
0x48: {  	v7 =	vld [tilespmem:s20+$0xFFFFFFC0]  }
0x49: {  	v8 =	vld [tilespmem:s22+$0xFFFFFFC0]  }
0x4a: {  	v9 =	vld [tilespmem:s20+$0xFFFFFFD0]  }
0x4b: {  	v10 =	vld [tilespmem:s22+$0xFFFFFFD0];
	v2 =	vadd.f32 v2, v1  }
0x4c: {  	v4 =	vadd.f32 v4, v3;
	v1 =	vld [tilespmem:s20+$0xFFFFFFE0]  }
0x4d: {  	v5 =	vadd.f32 v6, v5;
	v3 =	vld [tilespmem:s22+$0xFFFFFFE0];
	[tilespmem:s20+$0x0] =	vst v2  }
0x4e: {  	v6 =	vadd.f32 v8, v7;
	[tilespmem:s20+$0xFFFFFFA0] =	vst v4;
	v2 =	vld [tilespmem:s20+$0xFFFFFFF0]  }
0x4f: {  	s24 =	simm.s32 $0x0;
	[tilespmem:s20+$0xFFFFFFB0] =	vst v5;
	v4 =	vld [tilespmem:s22+$0xFFFFFFF0]  }
0x50: {  	s23 =	simm.s32 $0x170;
	s25 =	simm.s32 $0x84F0;
	s21 =	simm.s32 $0x8170;
	v5 =	vld [tilespmem:s20+$0xFFFFFF90];
	[tilespmem:s20+$0xFFFFFFC0] =	vst v6;
	v6 =	vadd.f32 v10, v9  }
.LBB2_4:
0x51: {  	v7 =	vld [tilespmem:s25+$0x0];
	s22 =	sadd.s32 $0x400, s22  }
0x52: {  	s24 =	sadd.s32 $0x8, s24;
	v8 =	vld [tilespmem:s22+$0x0];
	[tilespmem:s20+$0xFFFFFFD0] =	vst v6;
	v1 =	vadd.f32 v3, v1  }
0x53: {  	p0 =	slt.u32 s24, $0x78;
	v3 =	vld [tilespmem:s22+$0xFFFFFF90]  }
0x54: {  	v6 =	vld [tilespmem:s25+$0xFFFFFFA0];
	[tilespmem:s20+$0xFFFFFFE0] =	vst v1;
	v1 =	vadd.f32 v4, v2  }
0x55: {  	v2 =	vld [tilespmem:s22+$0xFFFFFFA0];
	v9 =	vadd.f32 v0, v5  }
0x56: {  	v4 =	vld [tilespmem:s25+$0xFFFFFFB0];
	[tilespmem:s20+$0xFFFFFFF0] =	vst v1  }
0x57: {  	v1 =	vld [tilespmem:s22+$0xFFFFFFB0];
	v5 =	vadd.f32 v8, v7;
	[tilespmem:s20+$0xFFFFFF90] =	vst v9;
	s20 =	smov.u32 s25  }
0x58: {  	v7 =	vld [tilespmem:s25+$0xFFFFFFC0];
	v0 =	vmov v3  }
0x59: {  	v8 =	vld [tilespmem:s22+$0xFFFFFFC0];
	[tilespmem:s25+$0x0] =	vst v5  }
0x5a: {  	v2 =	vadd.f32 v2, v6;
	v6 =	vld [tilespmem:s25+$0xFFFFFFD0]  }
0x5b: {  	v9 =	vld [tilespmem:s22+$0xFFFFFFD0]  }
.Ltmp1:
0x5c: {  	[tilespmem:s25+$0xFFFFFFA0] =	vst v2;
	v2 =	vadd.f32 v1, v4;
	v1 =	vld [tilespmem:s25+$0xFFFFFFE0];
	(pc) =	sbr.rel @p0 .LBB2_4-.Ltmp1, $4  }
0x5d: {  	v3 =	vld [tilespmem:s22+$0xFFFFFFE0]  }
0x5e: {  	[tilespmem:s25+$0xFFFFFFB0] =	vst v2;
	v7 =	vadd.f32 v8, v7;
	v2 =	vld [tilespmem:s25+$0xFFFFFFF0]  }
0x5f: {  	v4 =	vld [tilespmem:s22+$0xFFFFFFF0]  }
0x60: {  	s25 =	sadd.s32 $0x400, s25;
	v5 =	vld [tilespmem:s20+$0xFFFFFF90];
	[tilespmem:s20+$0xFFFFFFC0] =	vst v7;
	v6 =	vadd.f32 v9, v6  }
0x61: {  	_ =	sdelay $0x1  }
0x62: {  	v1 =	vadd.f32 v3, v1  }
0x63: {  	[tilespmem:s20+$0xFFFFFFD0] =	vst v6;
	v2 =	vadd.f32 v4, v2  }
0x64: {  	[tilespmem:s20+$0xFFFFFFE0] =	vst v1;
	v0 =	vadd.f32 v0, v5  }
0x65: {  	[tilespmem:s20+$0xFFFFFFF0] =	vst v2  }
0x66: {  	[tilespmem:s20+$0xFFFFFF90] =	vst v0  }
0x67: {  	v1 =	vld [tilespmem:s21+$0x0]  }
0x68: {  	v2 =	vld [tilespmem:s23+$0x0]  }
0x69: {  	v0 =	vld [tilespmem:s23+$0xFFFFFF90]  }
0x6a: {  	v3 =	vld [tilespmem:s21+$0xFFFFFFA0]  }
0x6b: {  	v4 =	vld [tilespmem:s23+$0xFFFFFFA0]  }
0x6c: {  	v5 =	vld [tilespmem:s21+$0xFFFFFFB0]  }
0x6d: {  	v6 =	vld [tilespmem:s23+$0xFFFFFFB0]  }
0x6e: {  	v7 =	vld [tilespmem:s21+$0xFFFFFFC0]  }
0x6f: {  	v8 =	vld [tilespmem:s23+$0xFFFFFFC0]  }
0x70: {  	v9 =	vld [tilespmem:s21+$0xFFFFFFD0]  }
0x71: {  	v10 =	vld [tilespmem:s23+$0xFFFFFFD0];
	v2 =	vadd.f32 v2, v1  }
0x72: {  	v4 =	vadd.f32 v4, v3;
	v1 =	vld [tilespmem:s21+$0xFFFFFFE0]  }
0x73: {  	v5 =	vadd.f32 v6, v5;
	v3 =	vld [tilespmem:s23+$0xFFFFFFE0];
	[tilespmem:s21+$0x0] =	vst v2  }
0x74: {  	v6 =	vadd.f32 v8, v7;
	[tilespmem:s21+$0xFFFFFFA0] =	vst v4;
	v2 =	vld [tilespmem:s21+$0xFFFFFFF0]  }
0x75: {  	s24 =	simm.s32 $0x0;
	[tilespmem:s21+$0xFFFFFFB0] =	vst v5;
	v4 =	vld [tilespmem:s23+$0xFFFFFFF0]  }
0x76: {  	s22 =	simm.s32 $0x1F0;
	s25 =	simm.s32 $0x8570;
	s20 =	simm.s32 $0x81F0;
	v5 =	vld [tilespmem:s21+$0xFFFFFF90];
	[tilespmem:s21+$0xFFFFFFC0] =	vst v6;
	v6 =	vadd.f32 v10, v9  }
.LBB2_6:
0x77: {  	v7 =	vld [tilespmem:s25+$0x0];
	s23 =	sadd.s32 $0x400, s23  }
0x78: {  	s24 =	sadd.s32 $0x8, s24;
	v8 =	vld [tilespmem:s23+$0x0];
	[tilespmem:s21+$0xFFFFFFD0] =	vst v6;
	v1 =	vadd.f32 v3, v1  }
0x79: {  	p0 =	slt.u32 s24, $0x78;
	v3 =	vld [tilespmem:s23+$0xFFFFFF90]  }
0x7a: {  	v6 =	vld [tilespmem:s25+$0xFFFFFFA0];
	[tilespmem:s21+$0xFFFFFFE0] =	vst v1;
	v1 =	vadd.f32 v4, v2  }
0x7b: {  	v2 =	vld [tilespmem:s23+$0xFFFFFFA0];
	v9 =	vadd.f32 v0, v5  }
0x7c: {  	v4 =	vld [tilespmem:s25+$0xFFFFFFB0];
	[tilespmem:s21+$0xFFFFFFF0] =	vst v1  }
0x7d: {  	v1 =	vld [tilespmem:s23+$0xFFFFFFB0];
	v5 =	vadd.f32 v8, v7;
	[tilespmem:s21+$0xFFFFFF90] =	vst v9;
	s21 =	smov.u32 s25  }
0x7e: {  	v7 =	vld [tilespmem:s25+$0xFFFFFFC0];
	v0 =	vmov v3  }
0x7f: {  	v8 =	vld [tilespmem:s23+$0xFFFFFFC0];
	[tilespmem:s25+$0x0] =	vst v5  }
0x80: {  	v2 =	vadd.f32 v2, v6;
	v6 =	vld [tilespmem:s25+$0xFFFFFFD0]  }
0x81: {  	v9 =	vld [tilespmem:s23+$0xFFFFFFD0]  }
.Ltmp2:
0x82: {  	[tilespmem:s25+$0xFFFFFFA0] =	vst v2;
	v2 =	vadd.f32 v1, v4;
	v1 =	vld [tilespmem:s25+$0xFFFFFFE0];
	(pc) =	sbr.rel @p0 .LBB2_6-.Ltmp2, $4  }
0x83: {  	v3 =	vld [tilespmem:s23+$0xFFFFFFE0]  }
0x84: {  	[tilespmem:s25+$0xFFFFFFB0] =	vst v2;
	v7 =	vadd.f32 v8, v7;
	v2 =	vld [tilespmem:s25+$0xFFFFFFF0]  }
0x85: {  	v4 =	vld [tilespmem:s23+$0xFFFFFFF0]  }
0x86: {  	s25 =	sadd.s32 $0x400, s25;
	v5 =	vld [tilespmem:s21+$0xFFFFFF90];
	[tilespmem:s21+$0xFFFFFFC0] =	vst v7;
	v6 =	vadd.f32 v9, v6  }
0x87: {  	_ =	sdelay $0x1  }
0x88: {  	v1 =	vadd.f32 v3, v1  }
0x89: {  	[tilespmem:s21+$0xFFFFFFD0] =	vst v6;
	v2 =	vadd.f32 v4, v2  }
0x8a: {  	[tilespmem:s21+$0xFFFFFFE0] =	vst v1;
	v0 =	vadd.f32 v0, v5  }
0x8b: {  	[tilespmem:s21+$0xFFFFFFF0] =	vst v2  }
0x8c: {  	[tilespmem:s21+$0xFFFFFF90] =	vst v0  }
0x8d: {  	v1 =	vld [tilespmem:s20+$0x0]  }
0x8e: {  	v2 =	vld [tilespmem:s22+$0x0]  }
0x8f: {  	v0 =	vld [tilespmem:s22+$0xFFFFFF90]  }
0x90: {  	v3 =	vld [tilespmem:s20+$0xFFFFFFA0]  }
0x91: {  	v4 =	vld [tilespmem:s22+$0xFFFFFFA0]  }
0x92: {  	v5 =	vld [tilespmem:s20+$0xFFFFFFB0]  }
0x93: {  	v6 =	vld [tilespmem:s22+$0xFFFFFFB0]  }
0x94: {  	v7 =	vld [tilespmem:s20+$0xFFFFFFC0]  }
0x95: {  	v8 =	vld [tilespmem:s22+$0xFFFFFFC0]  }
0x96: {  	v9 =	vld [tilespmem:s20+$0xFFFFFFD0]  }
0x97: {  	v10 =	vld [tilespmem:s22+$0xFFFFFFD0];
	v2 =	vadd.f32 v2, v1  }
0x98: {  	v4 =	vadd.f32 v4, v3;
	v1 =	vld [tilespmem:s20+$0xFFFFFFE0]  }
0x99: {  	v5 =	vadd.f32 v6, v5;
	v3 =	vld [tilespmem:s22+$0xFFFFFFE0];
	[tilespmem:s20+$0x0] =	vst v2  }
0x9a: {  	v6 =	vadd.f32 v8, v7;
	[tilespmem:s20+$0xFFFFFFA0] =	vst v4;
	v2 =	vld [tilespmem:s20+$0xFFFFFFF0]  }
0x9b: {  	s24 =	simm.s32 $0x0;
	[tilespmem:s20+$0xFFFFFFB0] =	vst v5;
	v4 =	vld [tilespmem:s22+$0xFFFFFFF0]  }
0x9c: {  	s23 =	simm.s32 $0x270;
	s25 =	simm.s32 $0x85F0;
	s21 =	simm.s32 $0x8270;
	v5 =	vld [tilespmem:s20+$0xFFFFFF90];
	[tilespmem:s20+$0xFFFFFFC0] =	vst v6;
	v6 =	vadd.f32 v10, v9  }
.LBB2_8:
0x9d: {  	v7 =	vld [tilespmem:s25+$0x0];
	s22 =	sadd.s32 $0x400, s22  }
0x9e: {  	s24 =	sadd.s32 $0x8, s24;
	v8 =	vld [tilespmem:s22+$0x0];
	[tilespmem:s20+$0xFFFFFFD0] =	vst v6;
	v1 =	vadd.f32 v3, v1  }
0x9f: {  	p0 =	slt.u32 s24, $0x78;
	v3 =	vld [tilespmem:s22+$0xFFFFFF90]  }
0xa0: {  	v6 =	vld [tilespmem:s25+$0xFFFFFFA0];
	[tilespmem:s20+$0xFFFFFFE0] =	vst v1;
	v1 =	vadd.f32 v4, v2  }
0xa1: {  	v2 =	vld [tilespmem:s22+$0xFFFFFFA0];
	v9 =	vadd.f32 v0, v5  }
0xa2: {  	v4 =	vld [tilespmem:s25+$0xFFFFFFB0];
	[tilespmem:s20+$0xFFFFFFF0] =	vst v1  }
0xa3: {  	v1 =	vld [tilespmem:s22+$0xFFFFFFB0];
	v5 =	vadd.f32 v8, v7;
	[tilespmem:s20+$0xFFFFFF90] =	vst v9;
	s20 =	smov.u32 s25  }
0xa4: {  	v7 =	vld [tilespmem:s25+$0xFFFFFFC0];
	v0 =	vmov v3  }
0xa5: {  	v8 =	vld [tilespmem:s22+$0xFFFFFFC0];
	[tilespmem:s25+$0x0] =	vst v5  }
0xa6: {  	v2 =	vadd.f32 v2, v6;
	v6 =	vld [tilespmem:s25+$0xFFFFFFD0]  }
0xa7: {  	v9 =	vld [tilespmem:s22+$0xFFFFFFD0]  }
.Ltmp3:
0xa8: {  	[tilespmem:s25+$0xFFFFFFA0] =	vst v2;
	v2 =	vadd.f32 v1, v4;
	v1 =	vld [tilespmem:s25+$0xFFFFFFE0];
	(pc) =	sbr.rel @p0 .LBB2_8-.Ltmp3, $4  }
0xa9: {  	v3 =	vld [tilespmem:s22+$0xFFFFFFE0]  }
0xaa: {  	[tilespmem:s25+$0xFFFFFFB0] =	vst v2;
	v7 =	vadd.f32 v8, v7;
	v2 =	vld [tilespmem:s25+$0xFFFFFFF0]  }
0xab: {  	v4 =	vld [tilespmem:s22+$0xFFFFFFF0]  }
0xac: {  	s25 =	sadd.s32 $0x400, s25;
	v5 =	vld [tilespmem:s20+$0xFFFFFF90];
	[tilespmem:s20+$0xFFFFFFC0] =	vst v7;
	v6 =	vadd.f32 v9, v6  }
0xad: {  	_ =	sdelay $0x1  }
0xae: {  	v1 =	vadd.f32 v3, v1  }
0xaf: {  	[tilespmem:s20+$0xFFFFFFD0] =	vst v6;
	v2 =	vadd.f32 v4, v2  }
0xb0: {  	[tilespmem:s20+$0xFFFFFFE0] =	vst v1;
	v0 =	vadd.f32 v0, v5  }
0xb1: {  	[tilespmem:s20+$0xFFFFFFF0] =	vst v2  }
0xb2: {  	[tilespmem:s20+$0xFFFFFF90] =	vst v0  }
0xb3: {  	v1 =	vld [tilespmem:s21+$0x0]  }
0xb4: {  	v2 =	vld [tilespmem:s23+$0x0]  }
0xb5: {  	v0 =	vld [tilespmem:s23+$0xFFFFFF90]  }
0xb6: {  	v3 =	vld [tilespmem:s21+$0xFFFFFFA0]  }
0xb7: {  	v4 =	vld [tilespmem:s23+$0xFFFFFFA0]  }
0xb8: {  	v5 =	vld [tilespmem:s21+$0xFFFFFFB0]  }
0xb9: {  	v6 =	vld [tilespmem:s23+$0xFFFFFFB0]  }
0xba: {  	v7 =	vld [tilespmem:s21+$0xFFFFFFC0]  }
0xbb: {  	v8 =	vld [tilespmem:s23+$0xFFFFFFC0]  }
0xbc: {  	v9 =	vld [tilespmem:s21+$0xFFFFFFD0]  }
0xbd: {  	v10 =	vld [tilespmem:s23+$0xFFFFFFD0];
	v2 =	vadd.f32 v2, v1  }
0xbe: {  	v4 =	vadd.f32 v4, v3;
	v1 =	vld [tilespmem:s21+$0xFFFFFFE0]  }
0xbf: {  	v5 =	vadd.f32 v6, v5;
	v3 =	vld [tilespmem:s23+$0xFFFFFFE0];
	[tilespmem:s21+$0x0] =	vst v2  }
0xc0: {  	v6 =	vadd.f32 v8, v7;
	[tilespmem:s21+$0xFFFFFFA0] =	vst v4;
	v2 =	vld [tilespmem:s21+$0xFFFFFFF0]  }
0xc1: {  	s24 =	simm.s32 $0x0;
	[tilespmem:s21+$0xFFFFFFB0] =	vst v5;
	v4 =	vld [tilespmem:s23+$0xFFFFFFF0]  }
0xc2: {  	s22 =	simm.s32 $0x2F0;
	s25 =	simm.s32 $0x8670;
	s20 =	simm.s32 $0x82F0;
	v5 =	vld [tilespmem:s21+$0xFFFFFF90];
	[tilespmem:s21+$0xFFFFFFC0] =	vst v6;
	v6 =	vadd.f32 v10, v9  }
.LBB2_10:
0xc3: {  	v7 =	vld [tilespmem:s25+$0x0];
	s23 =	sadd.s32 $0x400, s23  }
0xc4: {  	s24 =	sadd.s32 $0x8, s24;
	v8 =	vld [tilespmem:s23+$0x0];
	[tilespmem:s21+$0xFFFFFFD0] =	vst v6;
	v1 =	vadd.f32 v3, v1  }
0xc5: {  	p0 =	slt.u32 s24, $0x78;
	v3 =	vld [tilespmem:s23+$0xFFFFFF90]  }
0xc6: {  	v6 =	vld [tilespmem:s25+$0xFFFFFFA0];
	[tilespmem:s21+$0xFFFFFFE0] =	vst v1;
	v1 =	vadd.f32 v4, v2  }
0xc7: {  	v2 =	vld [tilespmem:s23+$0xFFFFFFA0];
	v9 =	vadd.f32 v0, v5  }
0xc8: {  	v4 =	vld [tilespmem:s25+$0xFFFFFFB0];
	[tilespmem:s21+$0xFFFFFFF0] =	vst v1  }
0xc9: {  	v1 =	vld [tilespmem:s23+$0xFFFFFFB0];
	v5 =	vadd.f32 v8, v7;
	[tilespmem:s21+$0xFFFFFF90] =	vst v9;
	s21 =	smov.u32 s25  }
0xca: {  	v7 =	vld [tilespmem:s25+$0xFFFFFFC0];
	v0 =	vmov v3  }
0xcb: {  	v8 =	vld [tilespmem:s23+$0xFFFFFFC0];
	[tilespmem:s25+$0x0] =	vst v5  }
0xcc: {  	v2 =	vadd.f32 v2, v6;
	v6 =	vld [tilespmem:s25+$0xFFFFFFD0]  }
0xcd: {  	v9 =	vld [tilespmem:s23+$0xFFFFFFD0]  }
.Ltmp4:
0xce: {  	[tilespmem:s25+$0xFFFFFFA0] =	vst v2;
	v2 =	vadd.f32 v1, v4;
	v1 =	vld [tilespmem:s25+$0xFFFFFFE0];
	(pc) =	sbr.rel @p0 .LBB2_10-.Ltmp4, $4  }
0xcf: {  	v3 =	vld [tilespmem:s23+$0xFFFFFFE0]  }
0xd0: {  	[tilespmem:s25+$0xFFFFFFB0] =	vst v2;
	v7 =	vadd.f32 v8, v7;
	v2 =	vld [tilespmem:s25+$0xFFFFFFF0]  }
0xd1: {  	v4 =	vld [tilespmem:s23+$0xFFFFFFF0]  }
0xd2: {  	s25 =	sadd.s32 $0x400, s25;
	v5 =	vld [tilespmem:s21+$0xFFFFFF90];
	[tilespmem:s21+$0xFFFFFFC0] =	vst v7;
	v6 =	vadd.f32 v9, v6  }
0xd3: {  	_ =	sdelay $0x1  }
0xd4: {  	v1 =	vadd.f32 v3, v1  }
0xd5: {  	[tilespmem:s21+$0xFFFFFFD0] =	vst v6;
	v2 =	vadd.f32 v4, v2  }
0xd6: {  	[tilespmem:s21+$0xFFFFFFE0] =	vst v1;
	v0 =	vadd.f32 v0, v5  }
0xd7: {  	[tilespmem:s21+$0xFFFFFFF0] =	vst v2  }
0xd8: {  	[tilespmem:s21+$0xFFFFFF90] =	vst v0  }
0xd9: {  	v1 =	vld [tilespmem:s20+$0x0]  }
0xda: {  	v2 =	vld [tilespmem:s22+$0x0]  }
0xdb: {  	v0 =	vld [tilespmem:s22+$0xFFFFFF90]  }
0xdc: {  	v3 =	vld [tilespmem:s20+$0xFFFFFFA0]  }
0xdd: {  	v4 =	vld [tilespmem:s22+$0xFFFFFFA0]  }
0xde: {  	v5 =	vld [tilespmem:s20+$0xFFFFFFB0]  }
0xdf: {  	v6 =	vld [tilespmem:s22+$0xFFFFFFB0]  }
0xe0: {  	v7 =	vld [tilespmem:s20+$0xFFFFFFC0]  }
0xe1: {  	v8 =	vld [tilespmem:s22+$0xFFFFFFC0]  }
0xe2: {  	v9 =	vld [tilespmem:s20+$0xFFFFFFD0]  }
0xe3: {  	v10 =	vld [tilespmem:s22+$0xFFFFFFD0];
	v2 =	vadd.f32 v2, v1  }
0xe4: {  	v4 =	vadd.f32 v4, v3;
	v1 =	vld [tilespmem:s20+$0xFFFFFFE0]  }
0xe5: {  	v5 =	vadd.f32 v6, v5;
	v3 =	vld [tilespmem:s22+$0xFFFFFFE0];
	[tilespmem:s20+$0x0] =	vst v2  }
0xe6: {  	v6 =	vadd.f32 v8, v7;
	[tilespmem:s20+$0xFFFFFFA0] =	vst v4;
	v2 =	vld [tilespmem:s20+$0xFFFFFFF0]  }
0xe7: {  	s24 =	simm.s32 $0x0;
	[tilespmem:s20+$0xFFFFFFB0] =	vst v5;
	v4 =	vld [tilespmem:s22+$0xFFFFFFF0]  }
0xe8: {  	s23 =	simm.s32 $0x370;
	s25 =	simm.s32 $0x86F0;
	s21 =	simm.s32 $0x8370;
	v5 =	vld [tilespmem:s20+$0xFFFFFF90];
	[tilespmem:s20+$0xFFFFFFC0] =	vst v6;
	v6 =	vadd.f32 v10, v9  }
.LBB2_12:
0xe9: {  	v7 =	vld [tilespmem:s25+$0x0];
	s22 =	sadd.s32 $0x400, s22  }
0xea: {  	s24 =	sadd.s32 $0x8, s24;
	v8 =	vld [tilespmem:s22+$0x0];
	[tilespmem:s20+$0xFFFFFFD0] =	vst v6;
	v1 =	vadd.f32 v3, v1  }
0xeb: {  	p0 =	slt.u32 s24, $0x78;
	v3 =	vld [tilespmem:s22+$0xFFFFFF90]  }
0xec: {  	v6 =	vld [tilespmem:s25+$0xFFFFFFA0];
	[tilespmem:s20+$0xFFFFFFE0] =	vst v1;
	v1 =	vadd.f32 v4, v2  }
0xed: {  	v2 =	vld [tilespmem:s22+$0xFFFFFFA0];
	v9 =	vadd.f32 v0, v5  }
0xee: {  	v4 =	vld [tilespmem:s25+$0xFFFFFFB0];
	[tilespmem:s20+$0xFFFFFFF0] =	vst v1  }
0xef: {  	v1 =	vld [tilespmem:s22+$0xFFFFFFB0];
	v5 =	vadd.f32 v8, v7;
	[tilespmem:s20+$0xFFFFFF90] =	vst v9;
	s20 =	smov.u32 s25  }
0xf0: {  	v7 =	vld [tilespmem:s25+$0xFFFFFFC0];
	v0 =	vmov v3  }
0xf1: {  	v8 =	vld [tilespmem:s22+$0xFFFFFFC0];
	[tilespmem:s25+$0x0] =	vst v5  }
0xf2: {  	v2 =	vadd.f32 v2, v6;
	v6 =	vld [tilespmem:s25+$0xFFFFFFD0]  }
0xf3: {  	v9 =	vld [tilespmem:s22+$0xFFFFFFD0]  }
.Ltmp5:
0xf4: {  	[tilespmem:s25+$0xFFFFFFA0] =	vst v2;
	v2 =	vadd.f32 v1, v4;
	v1 =	vld [tilespmem:s25+$0xFFFFFFE0];
	(pc) =	sbr.rel @p0 .LBB2_12-.Ltmp5, $4  }
0xf5: {  	v3 =	vld [tilespmem:s22+$0xFFFFFFE0]  }
0xf6: {  	[tilespmem:s25+$0xFFFFFFB0] =	vst v2;
	v7 =	vadd.f32 v8, v7;
	v2 =	vld [tilespmem:s25+$0xFFFFFFF0]  }
0xf7: {  	v4 =	vld [tilespmem:s22+$0xFFFFFFF0]  }
0xf8: {  	s25 =	sadd.s32 $0x400, s25;
	v5 =	vld [tilespmem:s20+$0xFFFFFF90];
	[tilespmem:s20+$0xFFFFFFC0] =	vst v7;
	v6 =	vadd.f32 v9, v6  }
0xf9: {  	_ =	sdelay $0x1  }
0xfa: {  	v1 =	vadd.f32 v3, v1  }
0xfb: {  	[tilespmem:s20+$0xFFFFFFD0] =	vst v6;
	v2 =	vadd.f32 v4, v2  }
0xfc: {  	[tilespmem:s20+$0xFFFFFFE0] =	vst v1;
	v0 =	vadd.f32 v0, v5  }
0xfd: {  	[tilespmem:s20+$0xFFFFFFF0] =	vst v2  }
0xfe: {  	[tilespmem:s20+$0xFFFFFF90] =	vst v0  }
0xff: {  	v1 =	vld [tilespmem:s21+$0x0]  }
0x100: {  	v2 =	vld [tilespmem:s23+$0x0]  }
0x101: {  	v0 =	vld [tilespmem:s23+$0xFFFFFF90]  }
0x102: {  	v3 =	vld [tilespmem:s21+$0xFFFFFFA0]  }
0x103: {  	v4 =	vld [tilespmem:s23+$0xFFFFFFA0]  }
0x104: {  	v5 =	vld [tilespmem:s21+$0xFFFFFFB0]  }
0x105: {  	v6 =	vld [tilespmem:s23+$0xFFFFFFB0]  }
0x106: {  	v7 =	vld [tilespmem:s21+$0xFFFFFFC0]  }
0x107: {  	v8 =	vld [tilespmem:s23+$0xFFFFFFC0]  }
0x108: {  	v9 =	vld [tilespmem:s21+$0xFFFFFFD0]  }
0x109: {  	v10 =	vld [tilespmem:s23+$0xFFFFFFD0];
	v2 =	vadd.f32 v2, v1  }
0x10a: {  	v4 =	vadd.f32 v4, v3;
	v1 =	vld [tilespmem:s21+$0xFFFFFFE0]  }
0x10b: {  	v5 =	vadd.f32 v6, v5;
	v3 =	vld [tilespmem:s23+$0xFFFFFFE0];
	[tilespmem:s21+$0x0] =	vst v2  }
0x10c: {  	v6 =	vadd.f32 v8, v7;
	[tilespmem:s21+$0xFFFFFFA0] =	vst v4;
	v2 =	vld [tilespmem:s21+$0xFFFFFFF0]  }
0x10d: {  	s24 =	simm.s32 $0x0;
	[tilespmem:s21+$0xFFFFFFB0] =	vst v5;
	v4 =	vld [tilespmem:s23+$0xFFFFFFF0]  }
0x10e: {  	s22 =	simm.s32 $0x3F0;
	s25 =	simm.s32 $0x8770;
	s20 =	simm.s32 $0x83F0;
	v5 =	vld [tilespmem:s21+$0xFFFFFF90];
	[tilespmem:s21+$0xFFFFFFC0] =	vst v6;
	v6 =	vadd.f32 v10, v9  }
.LBB2_14:
0x10f: {  	v7 =	vld [tilespmem:s25+$0x0];
	s23 =	sadd.s32 $0x400, s23  }
0x110: {  	s24 =	sadd.s32 $0x8, s24;
	v8 =	vld [tilespmem:s23+$0x0];
	[tilespmem:s21+$0xFFFFFFD0] =	vst v6;
	v1 =	vadd.f32 v3, v1  }
0x111: {  	p0 =	slt.u32 s24, $0x78;
	v3 =	vld [tilespmem:s23+$0xFFFFFF90]  }
0x112: {  	v6 =	vld [tilespmem:s25+$0xFFFFFFA0];
	[tilespmem:s21+$0xFFFFFFE0] =	vst v1;
	v1 =	vadd.f32 v4, v2  }
0x113: {  	v2 =	vld [tilespmem:s23+$0xFFFFFFA0];
	v9 =	vadd.f32 v0, v5  }
0x114: {  	v4 =	vld [tilespmem:s25+$0xFFFFFFB0];
	[tilespmem:s21+$0xFFFFFFF0] =	vst v1  }
0x115: {  	v1 =	vld [tilespmem:s23+$0xFFFFFFB0];
	v5 =	vadd.f32 v8, v7;
	[tilespmem:s21+$0xFFFFFF90] =	vst v9;
	s21 =	smov.u32 s25  }
0x116: {  	v7 =	vld [tilespmem:s25+$0xFFFFFFC0];
	v0 =	vmov v3  }
0x117: {  	v8 =	vld [tilespmem:s23+$0xFFFFFFC0];
	[tilespmem:s25+$0x0] =	vst v5  }
0x118: {  	v2 =	vadd.f32 v2, v6;
	v6 =	vld [tilespmem:s25+$0xFFFFFFD0]  }
0x119: {  	v9 =	vld [tilespmem:s23+$0xFFFFFFD0]  }
.Ltmp6:
0x11a: {  	[tilespmem:s25+$0xFFFFFFA0] =	vst v2;
	v2 =	vadd.f32 v1, v4;
	v1 =	vld [tilespmem:s25+$0xFFFFFFE0];
	(pc) =	sbr.rel @p0 .LBB2_14-.Ltmp6, $4  }
0x11b: {  	v3 =	vld [tilespmem:s23+$0xFFFFFFE0]  }
0x11c: {  	[tilespmem:s25+$0xFFFFFFB0] =	vst v2;
	v7 =	vadd.f32 v8, v7;
	v2 =	vld [tilespmem:s25+$0xFFFFFFF0]  }
0x11d: {  	v4 =	vld [tilespmem:s23+$0xFFFFFFF0]  }
0x11e: {  	s25 =	sadd.s32 $0x400, s25;
	v5 =	vld [tilespmem:s21+$0xFFFFFF90];
	[tilespmem:s21+$0xFFFFFFC0] =	vst v7;
	v6 =	vadd.f32 v9, v6  }
0x11f: {  	_ =	sdelay $0x1  }
0x120: {  	v1 =	vadd.f32 v3, v1  }
0x121: {  	[tilespmem:s21+$0xFFFFFFD0] =	vst v6;
	v2 =	vadd.f32 v4, v2  }
0x122: {  	[tilespmem:s21+$0xFFFFFFE0] =	vst v1;
	v0 =	vadd.f32 v0, v5  }
0x123: {  	[tilespmem:s21+$0xFFFFFFF0] =	vst v2  }
0x124: {  	[tilespmem:s21+$0xFFFFFF90] =	vst v0  }
0x125: {  	v1 =	vld [tilespmem:s20+$0x0]  }
0x126: {  	v2 =	vld [tilespmem:s22+$0x0]  }
0x127: {  	v0 =	vld [tilespmem:s22+$0xFFFFFF90]  }
0x128: {  	v3 =	vld [tilespmem:s20+$0xFFFFFFA0]  }
0x129: {  	v4 =	vld [tilespmem:s22+$0xFFFFFFA0]  }
0x12a: {  	v5 =	vld [tilespmem:s20+$0xFFFFFFB0]  }
0x12b: {  	v6 =	vld [tilespmem:s22+$0xFFFFFFB0]  }
0x12c: {  	v7 =	vld [tilespmem:s20+$0xFFFFFFC0]  }
0x12d: {  	v8 =	vld [tilespmem:s22+$0xFFFFFFC0]  }
0x12e: {  	v9 =	vld [tilespmem:s20+$0xFFFFFFD0]  }
0x12f: {  	v10 =	vld [tilespmem:s22+$0xFFFFFFD0];
	v2 =	vadd.f32 v2, v1  }
0x130: {  	v4 =	vadd.f32 v4, v3;
	v1 =	vld [tilespmem:s20+$0xFFFFFFE0]  }
0x131: {  	v5 =	vadd.f32 v6, v5;
	v3 =	vld [tilespmem:s22+$0xFFFFFFE0];
	[tilespmem:s20+$0x0] =	vst v2  }
0x132: {  	v6 =	vadd.f32 v8, v7;
	[tilespmem:s20+$0xFFFFFFA0] =	vst v4;
	v2 =	vld [tilespmem:s20+$0xFFFFFFF0]  }
0x133: {  	[tilespmem:s20+$0xFFFFFFB0] =	vst v5;
	v5 =	vld [tilespmem:s22+$0xFFFFFFF0]  }
0x134: {  	s23 =	simm.s32 $0x87F0;
	s21 =	simm.s32 $0x0;
	v4 =	vld [tilespmem:s20+$0xFFFFFF90];
	[tilespmem:s20+$0xFFFFFFC0] =	vst v6;
	v6 =	vadd.f32 v10, v9  }
.LBB2_16:
0x135: {  	v7 =	vld [tilespmem:s23+$0x0];
	s22 =	sadd.s32 $0x400, s22  }
0x136: {  	s21 =	sadd.s32 $0x8, s21;
	v8 =	vld [tilespmem:s22+$0x0];
	[tilespmem:s20+$0xFFFFFFD0] =	vst v6;
	v1 =	vadd.f32 v3, v1  }
0x137: {  	p0 =	slt.u32 s21, $0x78;
	v3 =	vld [tilespmem:s22+$0xFFFFFF90]  }
0x138: {  	v6 =	vld [tilespmem:s23+$0xFFFFFFA0];
	[tilespmem:s20+$0xFFFFFFE0] =	vst v1;
	v1 =	vadd.f32 v5, v2  }
0x139: {  	v2 =	vld [tilespmem:s22+$0xFFFFFFA0];
	v9 =	vadd.f32 v0, v4  }
0x13a: {  	v4 =	vld [tilespmem:s23+$0xFFFFFFB0];
	[tilespmem:s20+$0xFFFFFFF0] =	vst v1  }
0x13b: {  	v1 =	vld [tilespmem:s22+$0xFFFFFFB0];
	v5 =	vadd.f32 v8, v7;
	[tilespmem:s20+$0xFFFFFF90] =	vst v9;
	s20 =	smov.u32 s23  }
0x13c: {  	v7 =	vld [tilespmem:s23+$0xFFFFFFC0];
	v0 =	vmov v3  }
0x13d: {  	v8 =	vld [tilespmem:s22+$0xFFFFFFC0];
	[tilespmem:s23+$0x0] =	vst v5  }
0x13e: {  	v2 =	vadd.f32 v2, v6;
	v6 =	vld [tilespmem:s23+$0xFFFFFFD0]  }
0x13f: {  	v9 =	vld [tilespmem:s22+$0xFFFFFFD0]  }
.Ltmp7:
0x140: {  	[tilespmem:s23+$0xFFFFFFA0] =	vst v2;
	v2 =	vadd.f32 v1, v4;
	v1 =	vld [tilespmem:s23+$0xFFFFFFE0];
	(pc) =	sbr.rel @p0 .LBB2_16-.Ltmp7, $4  }
0x141: {  	v3 =	vld [tilespmem:s22+$0xFFFFFFE0]  }
0x142: {  	[tilespmem:s23+$0xFFFFFFB0] =	vst v2;
	v7 =	vadd.f32 v8, v7;
	v2 =	vld [tilespmem:s23+$0xFFFFFFF0]  }
0x143: {  	v5 =	vld [tilespmem:s22+$0xFFFFFFF0]  }
0x144: {  	s23 =	sadd.s32 $0x400, s23;
	v4 =	vld [tilespmem:s20+$0xFFFFFF90];
	[tilespmem:s20+$0xFFFFFFC0] =	vst v7;
	v6 =	vadd.f32 v9, v6  }
0x145: {  	_ =	sdelay $0x1  }
0x146: {  	v1 =	vadd.f32 v3, v1  }
0x147: {  	[tilespmem:s20+$0xFFFFFFD0] =	vst v6;
	v2 =	vadd.f32 v5, v2  }
0x148: {  	[tilespmem:s20+$0xFFFFFFE0] =	vst v1;
	v0 =	vadd.f32 v0, v4  }
0x149: {  	[tilespmem:s20+$0xFFFFFFF0] =	vst v2  }
0x14a: {  	[tilespmem:s20+$0xFFFFFF90] =	vst v0  }
0x14b: {  	[hbm4b:s7+s1] =	stream.linear.scatter [tilespmem:s10], [sflag:$0x5], $0x4000, $0x38;
	[tilespmem:$0x10000] =	vst v63  }
0x14c: {  	_ =	swait.ge [sflag:s15], $0x4000  }
0x14d: {  	[sflag:s15] =	ssyncset.done $0x0  }
0x14e: {  	[sflag:s15] =	ssyncadd.s32 $0xFFFFC000  }
0x14f: {  	_ =	swait.ge [sflag:s16], $0x4000  }
0x150: {  	[sflag:s16] =	ssyncset.done $0x0  }
0x151: {  	s21 =	simm.s32 $0xC040;
	[sflag:s16] =	ssyncadd.s32 $0xFFFFC000  }
0x152: {  	s23 =	simm.s32 $0x4040;
	v1 =	vld [tilespmem:s21+$0x30]  }
0x153: {  	v2 =	vld [tilespmem:s23+$0x30]  }
0x154: {  	v0 =	vld [tilespmem:s23+$0xFFFFFFC0]  }
0x155: {  	v3 =	vld [tilespmem:s21+$0xFFFFFFD0]  }
0x156: {  	v4 =	vld [tilespmem:s23+$0xFFFFFFD0]  }
0x157: {  	v5 =	vld [tilespmem:s21+$0xFFFFFFE0]  }
0x158: {  	v6 =	vld [tilespmem:s23+$0xFFFFFFE0]  }
0x159: {  	v7 =	vld [tilespmem:s21+$0xFFFFFFF0]  }
0x15a: {  	v8 =	vld [tilespmem:s23+$0xFFFFFFF0]  }
0x15b: {  	v9 =	vld [tilespmem:s21+$0x0]  }
0x15c: {  	v10 =	vld [tilespmem:s23+$0x0];
	v2 =	vadd.f32 v2, v1  }
0x15d: {  	v4 =	vadd.f32 v4, v3;
	v1 =	vld [tilespmem:s21+$0x10]  }
0x15e: {  	v5 =	vadd.f32 v6, v5;
	v3 =	vld [tilespmem:s23+$0x10];
	[tilespmem:s21+$0x30] =	vst v2  }
0x15f: {  	v6 =	vadd.f32 v8, v7;
	[tilespmem:s21+$0xFFFFFFD0] =	vst v4;
	v2 =	vld [tilespmem:s21+$0x20]  }
0x160: {  	s24 =	simm.s32 $0x0;
	[tilespmem:s21+$0xFFFFFFE0] =	vst v5;
	v4 =	vld [tilespmem:s23+$0x20]  }
0x161: {  	s22 =	simm.s32 $0x40F0;
	s25 =	simm.s32 $0xC440;
	s20 =	simm.s32 $0xC0F0;
	v5 =	vld [tilespmem:s21+$0xFFFFFFC0];
	[tilespmem:s21+$0xFFFFFFF0] =	vst v6;
	v6 =	vadd.f32 v10, v9  }
.LBB2_18:
0x162: {  	v7 =	vld [tilespmem:s25+$0x30];
	s23 =	sadd.s32 $0x400, s23  }
0x163: {  	s24 =	sadd.s32 $0x8, s24;
	v8 =	vld [tilespmem:s23+$0x30];
	[tilespmem:s21+$0x0] =	vst v6;
	v1 =	vadd.f32 v3, v1  }
0x164: {  	p0 =	slt.u32 s24, $0x78;
	v3 =	vld [tilespmem:s23+$0xFFFFFFC0]  }
0x165: {  	v6 =	vld [tilespmem:s25+$0xFFFFFFD0];
	[tilespmem:s21+$0x10] =	vst v1;
	v1 =	vadd.f32 v4, v2  }
0x166: {  	v2 =	vld [tilespmem:s23+$0xFFFFFFD0];
	v9 =	vadd.f32 v0, v5  }
0x167: {  	v4 =	vld [tilespmem:s25+$0xFFFFFFE0];
	[tilespmem:s21+$0x20] =	vst v1  }
0x168: {  	v1 =	vld [tilespmem:s23+$0xFFFFFFE0];
	v5 =	vadd.f32 v8, v7;
	[tilespmem:s21+$0xFFFFFFC0] =	vst v9;
	s21 =	smov.u32 s25  }
0x169: {  	v7 =	vld [tilespmem:s25+$0xFFFFFFF0];
	v0 =	vmov v3  }
0x16a: {  	v8 =	vld [tilespmem:s23+$0xFFFFFFF0];
	[tilespmem:s25+$0x30] =	vst v5  }
0x16b: {  	v2 =	vadd.f32 v2, v6;
	v6 =	vld [tilespmem:s25+$0x0]  }
0x16c: {  	v9 =	vld [tilespmem:s23+$0x0]  }
.Ltmp8:
0x16d: {  	[tilespmem:s25+$0xFFFFFFD0] =	vst v2;
	v2 =	vadd.f32 v1, v4;
	v1 =	vld [tilespmem:s25+$0x10];
	(pc) =	sbr.rel @p0 .LBB2_18-.Ltmp8, $4  }
0x16e: {  	v3 =	vld [tilespmem:s23+$0x10]  }
0x16f: {  	[tilespmem:s25+$0xFFFFFFE0] =	vst v2;
	v7 =	vadd.f32 v8, v7;
	v2 =	vld [tilespmem:s25+$0x20]  }
0x170: {  	v4 =	vld [tilespmem:s23+$0x20]  }
0x171: {  	s25 =	sadd.s32 $0x400, s25;
	v5 =	vld [tilespmem:s21+$0xFFFFFFC0];
	[tilespmem:s21+$0xFFFFFFF0] =	vst v7;
	v6 =	vadd.f32 v9, v6  }
0x172: {  	_ =	sdelay $0x1  }
0x173: {  	v1 =	vadd.f32 v3, v1  }
0x174: {  	[tilespmem:s21+$0x0] =	vst v6;
	v2 =	vadd.f32 v4, v2  }
0x175: {  	[tilespmem:s21+$0x10] =	vst v1;
	v0 =	vadd.f32 v0, v5  }
0x176: {  	[tilespmem:s21+$0x20] =	vst v2  }
0x177: {  	[tilespmem:s21+$0xFFFFFFC0] =	vst v0  }
0x178: {  	v1 =	vld [tilespmem:s20+$0x0]  }
0x179: {  	v2 =	vld [tilespmem:s22+$0x0]  }
0x17a: {  	v0 =	vld [tilespmem:s22+$0xFFFFFF90]  }
0x17b: {  	v3 =	vld [tilespmem:s20+$0xFFFFFFA0]  }
0x17c: {  	v4 =	vld [tilespmem:s22+$0xFFFFFFA0]  }
0x17d: {  	v5 =	vld [tilespmem:s20+$0xFFFFFFB0]  }
0x17e: {  	v6 =	vld [tilespmem:s22+$0xFFFFFFB0]  }
0x17f: {  	v7 =	vld [tilespmem:s20+$0xFFFFFFC0]  }
0x180: {  	v8 =	vld [tilespmem:s22+$0xFFFFFFC0]  }
0x181: {  	v9 =	vld [tilespmem:s20+$0xFFFFFFD0]  }
0x182: {  	v10 =	vld [tilespmem:s22+$0xFFFFFFD0];
	v2 =	vadd.f32 v2, v1  }
0x183: {  	v4 =	vadd.f32 v4, v3;
	v1 =	vld [tilespmem:s20+$0xFFFFFFE0]  }
0x184: {  	v5 =	vadd.f32 v6, v5;
	v3 =	vld [tilespmem:s22+$0xFFFFFFE0];
	[tilespmem:s20+$0x0] =	vst v2  }
0x185: {  	v6 =	vadd.f32 v8, v7;
	[tilespmem:s20+$0xFFFFFFA0] =	vst v4;
	v2 =	vld [tilespmem:s20+$0xFFFFFFF0]  }
0x186: {  	s24 =	simm.s32 $0x0;
	[tilespmem:s20+$0xFFFFFFB0] =	vst v5;
	v4 =	vld [tilespmem:s22+$0xFFFFFFF0]  }
0x187: {  	s23 =	simm.s32 $0x4170;
	s25 =	simm.s32 $0xC4F0;
	s21 =	simm.s32 $0xC170;
	v5 =	vld [tilespmem:s20+$0xFFFFFF90];
	[tilespmem:s20+$0xFFFFFFC0] =	vst v6;
	v6 =	vadd.f32 v10, v9  }
.LBB2_20:
0x188: {  	v7 =	vld [tilespmem:s25+$0x0];
	s22 =	sadd.s32 $0x400, s22  }
0x189: {  	s24 =	sadd.s32 $0x8, s24;
	v8 =	vld [tilespmem:s22+$0x0];
	[tilespmem:s20+$0xFFFFFFD0] =	vst v6;
	v1 =	vadd.f32 v3, v1  }
0x18a: {  	p0 =	slt.u32 s24, $0x78;
	v3 =	vld [tilespmem:s22+$0xFFFFFF90]  }
0x18b: {  	v6 =	vld [tilespmem:s25+$0xFFFFFFA0];
	[tilespmem:s20+$0xFFFFFFE0] =	vst v1;
	v1 =	vadd.f32 v4, v2  }
0x18c: {  	v2 =	vld [tilespmem:s22+$0xFFFFFFA0];
	v9 =	vadd.f32 v0, v5  }
0x18d: {  	v4 =	vld [tilespmem:s25+$0xFFFFFFB0];
	[tilespmem:s20+$0xFFFFFFF0] =	vst v1  }
0x18e: {  	v1 =	vld [tilespmem:s22+$0xFFFFFFB0];
	v5 =	vadd.f32 v8, v7;
	[tilespmem:s20+$0xFFFFFF90] =	vst v9;
	s20 =	smov.u32 s25  }
0x18f: {  	v7 =	vld [tilespmem:s25+$0xFFFFFFC0];
	v0 =	vmov v3  }
0x190: {  	v8 =	vld [tilespmem:s22+$0xFFFFFFC0];
	[tilespmem:s25+$0x0] =	vst v5  }
0x191: {  	v2 =	vadd.f32 v2, v6;
	v6 =	vld [tilespmem:s25+$0xFFFFFFD0]  }
0x192: {  	v9 =	vld [tilespmem:s22+$0xFFFFFFD0]  }
.Ltmp9:
0x193: {  	[tilespmem:s25+$0xFFFFFFA0] =	vst v2;
	v2 =	vadd.f32 v1, v4;
	v1 =	vld [tilespmem:s25+$0xFFFFFFE0];
	(pc) =	sbr.rel @p0 .LBB2_20-.Ltmp9, $4  }
0x194: {  	v3 =	vld [tilespmem:s22+$0xFFFFFFE0]  }
0x195: {  	[tilespmem:s25+$0xFFFFFFB0] =	vst v2;
	v7 =	vadd.f32 v8, v7;
	v2 =	vld [tilespmem:s25+$0xFFFFFFF0]  }
0x196: {  	v4 =	vld [tilespmem:s22+$0xFFFFFFF0]  }
0x197: {  	s25 =	sadd.s32 $0x400, s25;
	v5 =	vld [tilespmem:s20+$0xFFFFFF90];
	[tilespmem:s20+$0xFFFFFFC0] =	vst v7;
	v6 =	vadd.f32 v9, v6  }
0x198: {  	_ =	sdelay $0x1  }
0x199: {  	v1 =	vadd.f32 v3, v1  }
0x19a: {  	[tilespmem:s20+$0xFFFFFFD0] =	vst v6;
	v2 =	vadd.f32 v4, v2  }
0x19b: {  	[tilespmem:s20+$0xFFFFFFE0] =	vst v1;
	v0 =	vadd.f32 v0, v5  }
0x19c: {  	[tilespmem:s20+$0xFFFFFFF0] =	vst v2  }
0x19d: {  	[tilespmem:s20+$0xFFFFFF90] =	vst v0  }
0x19e: {  	v1 =	vld [tilespmem:s21+$0x0]  }
0x19f: {  	v2 =	vld [tilespmem:s23+$0x0]  }
0x1a0: {  	v0 =	vld [tilespmem:s23+$0xFFFFFF90]  }
0x1a1: {  	v3 =	vld [tilespmem:s21+$0xFFFFFFA0]  }
0x1a2: {  	v4 =	vld [tilespmem:s23+$0xFFFFFFA0]  }
0x1a3: {  	v5 =	vld [tilespmem:s21+$0xFFFFFFB0]  }
0x1a4: {  	v6 =	vld [tilespmem:s23+$0xFFFFFFB0]  }
0x1a5: {  	v7 =	vld [tilespmem:s21+$0xFFFFFFC0]  }
0x1a6: {  	v8 =	vld [tilespmem:s23+$0xFFFFFFC0]  }
0x1a7: {  	v9 =	vld [tilespmem:s21+$0xFFFFFFD0]  }
0x1a8: {  	v10 =	vld [tilespmem:s23+$0xFFFFFFD0];
	v2 =	vadd.f32 v2, v1  }
0x1a9: {  	v4 =	vadd.f32 v4, v3;
	v1 =	vld [tilespmem:s21+$0xFFFFFFE0]  }
0x1aa: {  	v5 =	vadd.f32 v6, v5;
	v3 =	vld [tilespmem:s23+$0xFFFFFFE0];
	[tilespmem:s21+$0x0] =	vst v2  }
0x1ab: {  	v6 =	vadd.f32 v8, v7;
	[tilespmem:s21+$0xFFFFFFA0] =	vst v4;
	v2 =	vld [tilespmem:s21+$0xFFFFFFF0]  }
0x1ac: {  	s24 =	simm.s32 $0x0;
	[tilespmem:s21+$0xFFFFFFB0] =	vst v5;
	v4 =	vld [tilespmem:s23+$0xFFFFFFF0]  }
0x1ad: {  	s22 =	simm.s32 $0x41F0;
	s25 =	simm.s32 $0xC570;
	s20 =	simm.s32 $0xC1F0;
	v5 =	vld [tilespmem:s21+$0xFFFFFF90];
	[tilespmem:s21+$0xFFFFFFC0] =	vst v6;
	v6 =	vadd.f32 v10, v9  }
.LBB2_22:
0x1ae: {  	v7 =	vld [tilespmem:s25+$0x0];
	s23 =	sadd.s32 $0x400, s23  }
0x1af: {  	s24 =	sadd.s32 $0x8, s24;
	v8 =	vld [tilespmem:s23+$0x0];
	[tilespmem:s21+$0xFFFFFFD0] =	vst v6;
	v1 =	vadd.f32 v3, v1  }
0x1b0: {  	p0 =	slt.u32 s24, $0x78;
	v3 =	vld [tilespmem:s23+$0xFFFFFF90]  }
0x1b1: {  	v6 =	vld [tilespmem:s25+$0xFFFFFFA0];
	[tilespmem:s21+$0xFFFFFFE0] =	vst v1;
	v1 =	vadd.f32 v4, v2  }
0x1b2: {  	v2 =	vld [tilespmem:s23+$0xFFFFFFA0];
	v9 =	vadd.f32 v0, v5  }
0x1b3: {  	v4 =	vld [tilespmem:s25+$0xFFFFFFB0];
	[tilespmem:s21+$0xFFFFFFF0] =	vst v1  }
0x1b4: {  	v1 =	vld [tilespmem:s23+$0xFFFFFFB0];
	v5 =	vadd.f32 v8, v7;
	[tilespmem:s21+$0xFFFFFF90] =	vst v9;
	s21 =	smov.u32 s25  }
0x1b5: {  	v7 =	vld [tilespmem:s25+$0xFFFFFFC0];
	v0 =	vmov v3  }
0x1b6: {  	v8 =	vld [tilespmem:s23+$0xFFFFFFC0];
	[tilespmem:s25+$0x0] =	vst v5  }
0x1b7: {  	v2 =	vadd.f32 v2, v6;
	v6 =	vld [tilespmem:s25+$0xFFFFFFD0]  }
0x1b8: {  	v9 =	vld [tilespmem:s23+$0xFFFFFFD0]  }
.Ltmp10:
0x1b9: {  	[tilespmem:s25+$0xFFFFFFA0] =	vst v2;
	v2 =	vadd.f32 v1, v4;
	v1 =	vld [tilespmem:s25+$0xFFFFFFE0];
	(pc) =	sbr.rel @p0 .LBB2_22-.Ltmp10, $4  }
0x1ba: {  	v3 =	vld [tilespmem:s23+$0xFFFFFFE0]  }
0x1bb: {  	[tilespmem:s25+$0xFFFFFFB0] =	vst v2;
	v7 =	vadd.f32 v8, v7;
	v2 =	vld [tilespmem:s25+$0xFFFFFFF0]  }
0x1bc: {  	v4 =	vld [tilespmem:s23+$0xFFFFFFF0]  }
0x1bd: {  	s25 =	sadd.s32 $0x400, s25;
	v5 =	vld [tilespmem:s21+$0xFFFFFF90];
	[tilespmem:s21+$0xFFFFFFC0] =	vst v7;
	v6 =	vadd.f32 v9, v6  }
0x1be: {  	_ =	sdelay $0x1  }
0x1bf: {  	v1 =	vadd.f32 v3, v1  }
0x1c0: {  	[tilespmem:s21+$0xFFFFFFD0] =	vst v6;
	v2 =	vadd.f32 v4, v2  }
0x1c1: {  	[tilespmem:s21+$0xFFFFFFE0] =	vst v1;
	v0 =	vadd.f32 v0, v5  }
0x1c2: {  	[tilespmem:s21+$0xFFFFFFF0] =	vst v2  }
0x1c3: {  	[tilespmem:s21+$0xFFFFFF90] =	vst v0  }
0x1c4: {  	v1 =	vld [tilespmem:s20+$0x0]  }
0x1c5: {  	v2 =	vld [tilespmem:s22+$0x0]  }
0x1c6: {  	v0 =	vld [tilespmem:s22+$0xFFFFFF90]  }
0x1c7: {  	v3 =	vld [tilespmem:s20+$0xFFFFFFA0]  }
0x1c8: {  	v4 =	vld [tilespmem:s22+$0xFFFFFFA0]  }
0x1c9: {  	v5 =	vld [tilespmem:s20+$0xFFFFFFB0]  }
0x1ca: {  	v6 =	vld [tilespmem:s22+$0xFFFFFFB0]  }
0x1cb: {  	v7 =	vld [tilespmem:s20+$0xFFFFFFC0]  }
0x1cc: {  	v8 =	vld [tilespmem:s22+$0xFFFFFFC0]  }
0x1cd: {  	v9 =	vld [tilespmem:s20+$0xFFFFFFD0]  }
0x1ce: {  	v10 =	vld [tilespmem:s22+$0xFFFFFFD0];
	v2 =	vadd.f32 v2, v1  }
0x1cf: {  	v4 =	vadd.f32 v4, v3;
	v1 =	vld [tilespmem:s20+$0xFFFFFFE0]  }
0x1d0: {  	v5 =	vadd.f32 v6, v5;
	v3 =	vld [tilespmem:s22+$0xFFFFFFE0];
	[tilespmem:s20+$0x0] =	vst v2  }
0x1d1: {  	v6 =	vadd.f32 v8, v7;
	[tilespmem:s20+$0xFFFFFFA0] =	vst v4;
	v2 =	vld [tilespmem:s20+$0xFFFFFFF0]  }
0x1d2: {  	s24 =	simm.s32 $0x0;
	[tilespmem:s20+$0xFFFFFFB0] =	vst v5;
	v4 =	vld [tilespmem:s22+$0xFFFFFFF0]  }
0x1d3: {  	s23 =	simm.s32 $0x4270;
	s25 =	simm.s32 $0xC5F0;
	s21 =	simm.s32 $0xC270;
	v5 =	vld [tilespmem:s20+$0xFFFFFF90];
	[tilespmem:s20+$0xFFFFFFC0] =	vst v6;
	v6 =	vadd.f32 v10, v9  }
.LBB2_24:
0x1d4: {  	v7 =	vld [tilespmem:s25+$0x0];
	s22 =	sadd.s32 $0x400, s22  }
0x1d5: {  	s24 =	sadd.s32 $0x8, s24;
	v8 =	vld [tilespmem:s22+$0x0];
	[tilespmem:s20+$0xFFFFFFD0] =	vst v6;
	v1 =	vadd.f32 v3, v1  }
0x1d6: {  	p0 =	slt.u32 s24, $0x78;
	v3 =	vld [tilespmem:s22+$0xFFFFFF90]  }
0x1d7: {  	v6 =	vld [tilespmem:s25+$0xFFFFFFA0];
	[tilespmem:s20+$0xFFFFFFE0] =	vst v1;
	v1 =	vadd.f32 v4, v2  }
0x1d8: {  	v2 =	vld [tilespmem:s22+$0xFFFFFFA0];
	v9 =	vadd.f32 v0, v5  }
0x1d9: {  	v4 =	vld [tilespmem:s25+$0xFFFFFFB0];
	[tilespmem:s20+$0xFFFFFFF0] =	vst v1  }
0x1da: {  	v1 =	vld [tilespmem:s22+$0xFFFFFFB0];
	v5 =	vadd.f32 v8, v7;
	[tilespmem:s20+$0xFFFFFF90] =	vst v9;
	s20 =	smov.u32 s25  }
0x1db: {  	v7 =	vld [tilespmem:s25+$0xFFFFFFC0];
	v0 =	vmov v3  }
0x1dc: {  	v8 =	vld [tilespmem:s22+$0xFFFFFFC0];
	[tilespmem:s25+$0x0] =	vst v5  }
0x1dd: {  	v2 =	vadd.f32 v2, v6;
	v6 =	vld [tilespmem:s25+$0xFFFFFFD0]  }
0x1de: {  	v9 =	vld [tilespmem:s22+$0xFFFFFFD0]  }
.Ltmp11:
0x1df: {  	[tilespmem:s25+$0xFFFFFFA0] =	vst v2;
	v2 =	vadd.f32 v1, v4;
	v1 =	vld [tilespmem:s25+$0xFFFFFFE0];
	(pc) =	sbr.rel @p0 .LBB2_24-.Ltmp11, $4  }
0x1e0: {  	v3 =	vld [tilespmem:s22+$0xFFFFFFE0]  }
0x1e1: {  	[tilespmem:s25+$0xFFFFFFB0] =	vst v2;
	v7 =	vadd.f32 v8, v7;
	v2 =	vld [tilespmem:s25+$0xFFFFFFF0]  }
0x1e2: {  	v4 =	vld [tilespmem:s22+$0xFFFFFFF0]  }
0x1e3: {  	s25 =	sadd.s32 $0x400, s25;
	v5 =	vld [tilespmem:s20+$0xFFFFFF90];
	[tilespmem:s20+$0xFFFFFFC0] =	vst v7;
	v6 =	vadd.f32 v9, v6  }
0x1e4: {  	_ =	sdelay $0x1  }
0x1e5: {  	v1 =	vadd.f32 v3, v1  }
0x1e6: {  	[tilespmem:s20+$0xFFFFFFD0] =	vst v6;
	v2 =	vadd.f32 v4, v2  }
0x1e7: {  	[tilespmem:s20+$0xFFFFFFE0] =	vst v1;
	v0 =	vadd.f32 v0, v5  }
0x1e8: {  	[tilespmem:s20+$0xFFFFFFF0] =	vst v2  }
0x1e9: {  	[tilespmem:s20+$0xFFFFFF90] =	vst v0  }
0x1ea: {  	v1 =	vld [tilespmem:s21+$0x0]  }
0x1eb: {  	v2 =	vld [tilespmem:s23+$0x0]  }
0x1ec: {  	v0 =	vld [tilespmem:s23+$0xFFFFFF90]  }
0x1ed: {  	v3 =	vld [tilespmem:s21+$0xFFFFFFA0]  }
0x1ee: {  	v4 =	vld [tilespmem:s23+$0xFFFFFFA0]  }
0x1ef: {  	v5 =	vld [tilespmem:s21+$0xFFFFFFB0]  }
0x1f0: {  	v6 =	vld [tilespmem:s23+$0xFFFFFFB0]  }
0x1f1: {  	v7 =	vld [tilespmem:s21+$0xFFFFFFC0]  }
0x1f2: {  	v8 =	vld [tilespmem:s23+$0xFFFFFFC0]  }
0x1f3: {  	v9 =	vld [tilespmem:s21+$0xFFFFFFD0]  }
0x1f4: {  	v10 =	vld [tilespmem:s23+$0xFFFFFFD0];
	v2 =	vadd.f32 v2, v1  }
0x1f5: {  	v4 =	vadd.f32 v4, v3;
	v1 =	vld [tilespmem:s21+$0xFFFFFFE0]  }
0x1f6: {  	v5 =	vadd.f32 v6, v5;
	v3 =	vld [tilespmem:s23+$0xFFFFFFE0];
	[tilespmem:s21+$0x0] =	vst v2  }
0x1f7: {  	v6 =	vadd.f32 v8, v7;
	[tilespmem:s21+$0xFFFFFFA0] =	vst v4;
	v2 =	vld [tilespmem:s21+$0xFFFFFFF0]  }
0x1f8: {  	s24 =	simm.s32 $0x0;
	[tilespmem:s21+$0xFFFFFFB0] =	vst v5;
	v4 =	vld [tilespmem:s23+$0xFFFFFFF0]  }
0x1f9: {  	s22 =	simm.s32 $0x42F0;
	s25 =	simm.s32 $0xC670;
	s20 =	simm.s32 $0xC2F0;
	v5 =	vld [tilespmem:s21+$0xFFFFFF90];
	[tilespmem:s21+$0xFFFFFFC0] =	vst v6;
	v6 =	vadd.f32 v10, v9  }
.LBB2_26:
0x1fa: {  	v7 =	vld [tilespmem:s25+$0x0];
	s23 =	sadd.s32 $0x400, s23  }
0x1fb: {  	s24 =	sadd.s32 $0x8, s24;
	v8 =	vld [tilespmem:s23+$0x0];
	[tilespmem:s21+$0xFFFFFFD0] =	vst v6;
	v1 =	vadd.f32 v3, v1  }
0x1fc: {  	p0 =	slt.u32 s24, $0x78;
	v3 =	vld [tilespmem:s23+$0xFFFFFF90]  }
0x1fd: {  	v6 =	vld [tilespmem:s25+$0xFFFFFFA0];
	[tilespmem:s21+$0xFFFFFFE0] =	vst v1;
	v1 =	vadd.f32 v4, v2  }
0x1fe: {  	v2 =	vld [tilespmem:s23+$0xFFFFFFA0];
	v9 =	vadd.f32 v0, v5  }
0x1ff: {  	v4 =	vld [tilespmem:s25+$0xFFFFFFB0];
	[tilespmem:s21+$0xFFFFFFF0] =	vst v1  }
0x200: {  	v1 =	vld [tilespmem:s23+$0xFFFFFFB0];
	v5 =	vadd.f32 v8, v7;
	[tilespmem:s21+$0xFFFFFF90] =	vst v9;
	s21 =	smov.u32 s25  }
0x201: {  	v7 =	vld [tilespmem:s25+$0xFFFFFFC0];
	v0 =	vmov v3  }
0x202: {  	v8 =	vld [tilespmem:s23+$0xFFFFFFC0];
	[tilespmem:s25+$0x0] =	vst v5  }
0x203: {  	v2 =	vadd.f32 v2, v6;
	v6 =	vld [tilespmem:s25+$0xFFFFFFD0]  }
0x204: {  	v9 =	vld [tilespmem:s23+$0xFFFFFFD0]  }
.Ltmp12:
0x205: {  	[tilespmem:s25+$0xFFFFFFA0] =	vst v2;
	v2 =	vadd.f32 v1, v4;
	v1 =	vld [tilespmem:s25+$0xFFFFFFE0];
	(pc) =	sbr.rel @p0 .LBB2_26-.Ltmp12, $4  }
0x206: {  	v3 =	vld [tilespmem:s23+$0xFFFFFFE0]  }
0x207: {  	[tilespmem:s25+$0xFFFFFFB0] =	vst v2;
	v7 =	vadd.f32 v8, v7;
	v2 =	vld [tilespmem:s25+$0xFFFFFFF0]  }
0x208: {  	v4 =	vld [tilespmem:s23+$0xFFFFFFF0]  }
0x209: {  	s25 =	sadd.s32 $0x400, s25;
	v5 =	vld [tilespmem:s21+$0xFFFFFF90];
	[tilespmem:s21+$0xFFFFFFC0] =	vst v7;
	v6 =	vadd.f32 v9, v6  }
0x20a: {  	_ =	sdelay $0x1  }
0x20b: {  	v1 =	vadd.f32 v3, v1  }
0x20c: {  	[tilespmem:s21+$0xFFFFFFD0] =	vst v6;
	v2 =	vadd.f32 v4, v2  }
0x20d: {  	[tilespmem:s21+$0xFFFFFFE0] =	vst v1;
	v0 =	vadd.f32 v0, v5  }
0x20e: {  	[tilespmem:s21+$0xFFFFFFF0] =	vst v2  }
0x20f: {  	[tilespmem:s21+$0xFFFFFF90] =	vst v0  }
0x210: {  	v1 =	vld [tilespmem:s20+$0x0]  }
0x211: {  	v2 =	vld [tilespmem:s22+$0x0]  }
0x212: {  	v0 =	vld [tilespmem:s22+$0xFFFFFF90]  }
0x213: {  	v3 =	vld [tilespmem:s20+$0xFFFFFFA0]  }
0x214: {  	v4 =	vld [tilespmem:s22+$0xFFFFFFA0]  }
0x215: {  	v5 =	vld [tilespmem:s20+$0xFFFFFFB0]  }
0x216: {  	v6 =	vld [tilespmem:s22+$0xFFFFFFB0]  }
0x217: {  	v7 =	vld [tilespmem:s20+$0xFFFFFFC0]  }
0x218: {  	v8 =	vld [tilespmem:s22+$0xFFFFFFC0]  }
0x219: {  	v9 =	vld [tilespmem:s20+$0xFFFFFFD0]  }
0x21a: {  	v10 =	vld [tilespmem:s22+$0xFFFFFFD0];
	v2 =	vadd.f32 v2, v1  }
0x21b: {  	v4 =	vadd.f32 v4, v3;
	v1 =	vld [tilespmem:s20+$0xFFFFFFE0]  }
0x21c: {  	v5 =	vadd.f32 v6, v5;
	v3 =	vld [tilespmem:s22+$0xFFFFFFE0];
	[tilespmem:s20+$0x0] =	vst v2  }
0x21d: {  	v6 =	vadd.f32 v8, v7;
	[tilespmem:s20+$0xFFFFFFA0] =	vst v4;
	v2 =	vld [tilespmem:s20+$0xFFFFFFF0]  }
0x21e: {  	s24 =	simm.s32 $0x0;
	[tilespmem:s20+$0xFFFFFFB0] =	vst v5;
	v4 =	vld [tilespmem:s22+$0xFFFFFFF0]  }
0x21f: {  	s23 =	simm.s32 $0x4370;
	s25 =	simm.s32 $0xC6F0;
	s21 =	simm.s32 $0xC370;
	v5 =	vld [tilespmem:s20+$0xFFFFFF90];
	[tilespmem:s20+$0xFFFFFFC0] =	vst v6;
	v6 =	vadd.f32 v10, v9  }
.LBB2_28:
0x220: {  	v7 =	vld [tilespmem:s25+$0x0];
	s22 =	sadd.s32 $0x400, s22  }
0x221: {  	s24 =	sadd.s32 $0x8, s24;
	v8 =	vld [tilespmem:s22+$0x0];
	[tilespmem:s20+$0xFFFFFFD0] =	vst v6;
	v1 =	vadd.f32 v3, v1  }
0x222: {  	p0 =	slt.u32 s24, $0x78;
	v3 =	vld [tilespmem:s22+$0xFFFFFF90]  }
0x223: {  	v6 =	vld [tilespmem:s25+$0xFFFFFFA0];
	[tilespmem:s20+$0xFFFFFFE0] =	vst v1;
	v1 =	vadd.f32 v4, v2  }
0x224: {  	v2 =	vld [tilespmem:s22+$0xFFFFFFA0];
	v9 =	vadd.f32 v0, v5  }
0x225: {  	v4 =	vld [tilespmem:s25+$0xFFFFFFB0];
	[tilespmem:s20+$0xFFFFFFF0] =	vst v1  }
0x226: {  	v1 =	vld [tilespmem:s22+$0xFFFFFFB0];
	v5 =	vadd.f32 v8, v7;
	[tilespmem:s20+$0xFFFFFF90] =	vst v9;
	s20 =	smov.u32 s25  }
0x227: {  	v7 =	vld [tilespmem:s25+$0xFFFFFFC0];
	v0 =	vmov v3  }
0x228: {  	v8 =	vld [tilespmem:s22+$0xFFFFFFC0];
	[tilespmem:s25+$0x0] =	vst v5  }
0x229: {  	v2 =	vadd.f32 v2, v6;
	v6 =	vld [tilespmem:s25+$0xFFFFFFD0]  }
0x22a: {  	v9 =	vld [tilespmem:s22+$0xFFFFFFD0]  }
.Ltmp13:
0x22b: {  	[tilespmem:s25+$0xFFFFFFA0] =	vst v2;
	v2 =	vadd.f32 v1, v4;
	v1 =	vld [tilespmem:s25+$0xFFFFFFE0];
	(pc) =	sbr.rel @p0 .LBB2_28-.Ltmp13, $4  }
0x22c: {  	v3 =	vld [tilespmem:s22+$0xFFFFFFE0]  }
0x22d: {  	[tilespmem:s25+$0xFFFFFFB0] =	vst v2;
	v7 =	vadd.f32 v8, v7;
	v2 =	vld [tilespmem:s25+$0xFFFFFFF0]  }
0x22e: {  	v4 =	vld [tilespmem:s22+$0xFFFFFFF0]  }
0x22f: {  	s25 =	sadd.s32 $0x400, s25;
	v5 =	vld [tilespmem:s20+$0xFFFFFF90];
	[tilespmem:s20+$0xFFFFFFC0] =	vst v7;
	v6 =	vadd.f32 v9, v6  }
0x230: {  	_ =	sdelay $0x1  }
0x231: {  	v1 =	vadd.f32 v3, v1  }
0x232: {  	[tilespmem:s20+$0xFFFFFFD0] =	vst v6;
	v2 =	vadd.f32 v4, v2  }
0x233: {  	[tilespmem:s20+$0xFFFFFFE0] =	vst v1;
	v0 =	vadd.f32 v0, v5  }
0x234: {  	[tilespmem:s20+$0xFFFFFFF0] =	vst v2  }
0x235: {  	[tilespmem:s20+$0xFFFFFF90] =	vst v0  }
0x236: {  	v1 =	vld [tilespmem:s21+$0x0]  }
0x237: {  	v2 =	vld [tilespmem:s23+$0x0]  }
0x238: {  	v0 =	vld [tilespmem:s23+$0xFFFFFF90]  }
0x239: {  	v3 =	vld [tilespmem:s21+$0xFFFFFFA0]  }
0x23a: {  	v4 =	vld [tilespmem:s23+$0xFFFFFFA0]  }
0x23b: {  	v5 =	vld [tilespmem:s21+$0xFFFFFFB0]  }
0x23c: {  	v6 =	vld [tilespmem:s23+$0xFFFFFFB0]  }
0x23d: {  	v7 =	vld [tilespmem:s21+$0xFFFFFFC0]  }
0x23e: {  	v8 =	vld [tilespmem:s23+$0xFFFFFFC0]  }
0x23f: {  	v9 =	vld [tilespmem:s21+$0xFFFFFFD0]  }
0x240: {  	v10 =	vld [tilespmem:s23+$0xFFFFFFD0];
	v2 =	vadd.f32 v2, v1  }
0x241: {  	v4 =	vadd.f32 v4, v3;
	v1 =	vld [tilespmem:s21+$0xFFFFFFE0]  }
0x242: {  	v5 =	vadd.f32 v6, v5;
	v3 =	vld [tilespmem:s23+$0xFFFFFFE0];
	[tilespmem:s21+$0x0] =	vst v2  }
0x243: {  	v6 =	vadd.f32 v8, v7;
	[tilespmem:s21+$0xFFFFFFA0] =	vst v4;
	v2 =	vld [tilespmem:s21+$0xFFFFFFF0]  }
0x244: {  	s24 =	simm.s32 $0x0;
	[tilespmem:s21+$0xFFFFFFB0] =	vst v5;
	v4 =	vld [tilespmem:s23+$0xFFFFFFF0]  }
0x245: {  	s22 =	simm.s32 $0x43F0;
	s25 =	simm.s32 $0xC770;
	s20 =	simm.s32 $0xC3F0;
	v5 =	vld [tilespmem:s21+$0xFFFFFF90];
	[tilespmem:s21+$0xFFFFFFC0] =	vst v6;
	v6 =	vadd.f32 v10, v9  }
.LBB2_30:
0x246: {  	v7 =	vld [tilespmem:s25+$0x0];
	s23 =	sadd.s32 $0x400, s23  }
0x247: {  	s24 =	sadd.s32 $0x8, s24;
	v8 =	vld [tilespmem:s23+$0x0];
	[tilespmem:s21+$0xFFFFFFD0] =	vst v6;
	v1 =	vadd.f32 v3, v1  }
0x248: {  	p0 =	slt.u32 s24, $0x78;
	v3 =	vld [tilespmem:s23+$0xFFFFFF90]  }
0x249: {  	v6 =	vld [tilespmem:s25+$0xFFFFFFA0];
	[tilespmem:s21+$0xFFFFFFE0] =	vst v1;
	v1 =	vadd.f32 v4, v2  }
0x24a: {  	v2 =	vld [tilespmem:s23+$0xFFFFFFA0];
	v9 =	vadd.f32 v0, v5  }
0x24b: {  	v4 =	vld [tilespmem:s25+$0xFFFFFFB0];
	[tilespmem:s21+$0xFFFFFFF0] =	vst v1  }
0x24c: {  	v1 =	vld [tilespmem:s23+$0xFFFFFFB0];
	v5 =	vadd.f32 v8, v7;
	[tilespmem:s21+$0xFFFFFF90] =	vst v9;
	s21 =	smov.u32 s25  }
0x24d: {  	v7 =	vld [tilespmem:s25+$0xFFFFFFC0];
	v0 =	vmov v3  }
0x24e: {  	v8 =	vld [tilespmem:s23+$0xFFFFFFC0];
	[tilespmem:s25+$0x0] =	vst v5  }
0x24f: {  	v2 =	vadd.f32 v2, v6;
	v6 =	vld [tilespmem:s25+$0xFFFFFFD0]  }
0x250: {  	v9 =	vld [tilespmem:s23+$0xFFFFFFD0]  }
.Ltmp14:
0x251: {  	[tilespmem:s25+$0xFFFFFFA0] =	vst v2;
	v2 =	vadd.f32 v1, v4;
	v1 =	vld [tilespmem:s25+$0xFFFFFFE0];
	(pc) =	sbr.rel @p0 .LBB2_30-.Ltmp14, $4  }
0x252: {  	v3 =	vld [tilespmem:s23+$0xFFFFFFE0]  }
0x253: {  	[tilespmem:s25+$0xFFFFFFB0] =	vst v2;
	v7 =	vadd.f32 v8, v7;
	v2 =	vld [tilespmem:s25+$0xFFFFFFF0]  }
0x254: {  	v4 =	vld [tilespmem:s23+$0xFFFFFFF0]  }
0x255: {  	s25 =	sadd.s32 $0x400, s25;
	v5 =	vld [tilespmem:s21+$0xFFFFFF90];
	[tilespmem:s21+$0xFFFFFFC0] =	vst v7;
	v6 =	vadd.f32 v9, v6  }
0x256: {  	_ =	sdelay $0x1  }
0x257: {  	v1 =	vadd.f32 v3, v1  }
0x258: {  	[tilespmem:s21+$0xFFFFFFD0] =	vst v6;
	v2 =	vadd.f32 v4, v2  }
0x259: {  	[tilespmem:s21+$0xFFFFFFE0] =	vst v1;
	v0 =	vadd.f32 v0, v5  }
0x25a: {  	[tilespmem:s21+$0xFFFFFFF0] =	vst v2  }
0x25b: {  	[tilespmem:s21+$0xFFFFFF90] =	vst v0  }
0x25c: {  	v1 =	vld [tilespmem:s20+$0x0]  }
0x25d: {  	v2 =	vld [tilespmem:s22+$0x0]  }
0x25e: {  	v0 =	vld [tilespmem:s22+$0xFFFFFF90]  }
0x25f: {  	v3 =	vld [tilespmem:s20+$0xFFFFFFA0]  }
0x260: {  	v4 =	vld [tilespmem:s22+$0xFFFFFFA0]  }
0x261: {  	v5 =	vld [tilespmem:s20+$0xFFFFFFB0]  }
0x262: {  	v6 =	vld [tilespmem:s22+$0xFFFFFFB0]  }
0x263: {  	v7 =	vld [tilespmem:s20+$0xFFFFFFC0]  }
0x264: {  	v8 =	vld [tilespmem:s22+$0xFFFFFFC0]  }
0x265: {  	v9 =	vld [tilespmem:s20+$0xFFFFFFD0]  }
0x266: {  	v10 =	vld [tilespmem:s22+$0xFFFFFFD0];
	v2 =	vadd.f32 v2, v1  }
0x267: {  	v4 =	vadd.f32 v4, v3;
	v1 =	vld [tilespmem:s20+$0xFFFFFFE0]  }
0x268: {  	v5 =	vadd.f32 v6, v5;
	v3 =	vld [tilespmem:s22+$0xFFFFFFE0];
	[tilespmem:s20+$0x0] =	vst v2  }
0x269: {  	v6 =	vadd.f32 v8, v7;
	[tilespmem:s20+$0xFFFFFFA0] =	vst v4;
	v2 =	vld [tilespmem:s20+$0xFFFFFFF0]  }
0x26a: {  	[tilespmem:s20+$0xFFFFFFB0] =	vst v5;
	v5 =	vld [tilespmem:s22+$0xFFFFFFF0]  }
0x26b: {  	s23 =	simm.s32 $0xC7F0;
	s21 =	simm.s32 $0x0;
	v4 =	vld [tilespmem:s20+$0xFFFFFF90];
	[tilespmem:s20+$0xFFFFFFC0] =	vst v6;
	v6 =	vadd.f32 v10, v9  }
.LBB2_32:
0x26c: {  	v7 =	vld [tilespmem:s23+$0x0];
	s22 =	sadd.s32 $0x400, s22  }
0x26d: {  	s21 =	sadd.s32 $0x8, s21;
	v8 =	vld [tilespmem:s22+$0x0];
	[tilespmem:s20+$0xFFFFFFD0] =	vst v6;
	v1 =	vadd.f32 v3, v1  }
0x26e: {  	p0 =	slt.u32 s21, $0x78;
	v3 =	vld [tilespmem:s22+$0xFFFFFF90]  }
0x26f: {  	v6 =	vld [tilespmem:s23+$0xFFFFFFA0];
	[tilespmem:s20+$0xFFFFFFE0] =	vst v1;
	v1 =	vadd.f32 v5, v2  }
0x270: {  	v2 =	vld [tilespmem:s22+$0xFFFFFFA0];
	v9 =	vadd.f32 v0, v4  }
0x271: {  	v4 =	vld [tilespmem:s23+$0xFFFFFFB0];
	[tilespmem:s20+$0xFFFFFFF0] =	vst v1  }
0x272: {  	v1 =	vld [tilespmem:s22+$0xFFFFFFB0];
	v5 =	vadd.f32 v8, v7;
	[tilespmem:s20+$0xFFFFFF90] =	vst v9;
	s20 =	smov.u32 s23  }
0x273: {  	v7 =	vld [tilespmem:s23+$0xFFFFFFC0];
	v0 =	vmov v3  }
0x274: {  	v8 =	vld [tilespmem:s22+$0xFFFFFFC0];
	[tilespmem:s23+$0x0] =	vst v5  }
0x275: {  	v2 =	vadd.f32 v2, v6;
	v6 =	vld [tilespmem:s23+$0xFFFFFFD0]  }
0x276: {  	v9 =	vld [tilespmem:s22+$0xFFFFFFD0]  }
.Ltmp15:
0x277: {  	[tilespmem:s23+$0xFFFFFFA0] =	vst v2;
	v2 =	vadd.f32 v1, v4;
	v1 =	vld [tilespmem:s23+$0xFFFFFFE0];
	(pc) =	sbr.rel @p0 .LBB2_32-.Ltmp15, $4  }
0x278: {  	v3 =	vld [tilespmem:s22+$0xFFFFFFE0]  }
0x279: {  	[tilespmem:s23+$0xFFFFFFB0] =	vst v2;
	v7 =	vadd.f32 v8, v7;
	v2 =	vld [tilespmem:s23+$0xFFFFFFF0]  }
0x27a: {  	v5 =	vld [tilespmem:s22+$0xFFFFFFF0]  }
0x27b: {  	s23 =	sadd.s32 $0x400, s23;
	v4 =	vld [tilespmem:s20+$0xFFFFFF90];
	[tilespmem:s20+$0xFFFFFFC0] =	vst v7;
	v6 =	vadd.f32 v9, v6  }
0x27c: {  	_ =	sdelay $0x1  }
0x27d: {  	v1 =	vadd.f32 v3, v1  }
0x27e: {  	[tilespmem:s20+$0xFFFFFFD0] =	vst v6;
	v2 =	vadd.f32 v5, v2  }
0x27f: {  	[tilespmem:s20+$0xFFFFFFE0] =	vst v1;
	v0 =	vadd.f32 v0, v4  }
0x280: {  	[tilespmem:s20+$0xFFFFFFF0] =	vst v2  }
0x281: {  	s19 =	sadd.s32 $0x1, s19;
	[tilespmem:s20+$0xFFFFFF90] =	vst v0  }
0x282: {  	[hbm4b:s8+s1] =	stream.linear.scatter [tilespmem:s14], [sflag:$0x6], $0x4000, $0x38;
	[tilespmem:$0x10000] =	vst v63  }
0x283: {  	p0 =	sne.s32 s19, s9;
	_ =	swait.ge [sflag:s17], $0x4000  }
.Ltmp16:
0x284: {  	[sflag:s17] =	ssyncset.done $0x0;
	(pc) =	sbr.rel @p0 .LBB2_1-.Ltmp16, $4  }
0x285: {  	[sflag:s17] =	ssyncadd.s32 $0xFFFFC000  }
0x286: {  	_ =	swait.ge [sflag:s18], $0x4000  }
0x287: {  	[sflag:s18] =	ssyncset.done $0x0  }
0x288: {  	[sflag:s18] =	ssyncadd.s32 $0xFFFFC000  }
0x289: {  	_ =	sfence.sel $0x180000  }
0x28a: {  	[bflag:$0x0] =	sbarrier.arrive $0xFFFF  }
0x28b: {  	p0 =	sne.s32 s2, $0x0;
	_ =	strace $0x90000047  }
0x28c: {  	s0 =	sadd.s32 @!p0 $0x100000, s0;
	[bflag:$0x2] =	sbarrier.arrive $0xFFFF  }
0x28d: {  	[sflag:s0] =	ssyncadd.tile.s32 @!p0 $0x1;
	_ =	shalt  }
.Lfunc_end2:
_tile_overlayer_lowered:
.L_overlay_start_2:
0x28e: {  	(tag) =	ssettag $0x2  }
0x28f: {  	s0 =	rddreg [dreg:$0x0];
	s2 =	stileid.u32  }
0x290: {  	s1 =	rddreg [dreg:$0x1];
	p0 =	sne.s32 s2, $0x0  }
0x291: {  	s3 =	rddreg [dreg:$0x2];
	[bflag:$0x3] =	sbarrier.arrive $0xFFFF;
	s2 =	simm.s32 @!p0 $0x1C07  }
0x292: {  	[timem:s3], [sflag:s2] =	dma.local @!p0 [hbm:s0], s1  }
0x293: {  	s0 =	simm.s32 @!p0 $0x7  }
0x294: {  	_ =	swait.ge @!p0 [sflag:s0], s1  }
0x295: {  	s1 =	ssub.s32 @!p0 $0x0, s1;
	[sflag:s0] =	ssyncset.done @!p0 $0x0  }
0x296: {  	[sflag:s0] =	ssyncadd.s32 @!p0 s1  }
0x297: {  	[bflag:$0x3] =	sbarrier.arrive $0xFFFF  }
0x298: {  	_ =	shalt  }

</sc_bundles>
